<compile_context>
chip_gen: v7x
topology: tpu7x:2x2x1
jax: 0.10.2.dev20260603
libtpu: 0.0.44.dev20260713+nightly
codegen_flags: <defaults>
</compile_context>

<pallas_src>
import functools

import jax
import jax.numpy as jnp
from jax import lax
from jax.experimental import pallas as pl
from jax.experimental.pallas import tpu as pltpu, tpu_sc as plsc

EPS = 1e-10

B, N, D = 4, 2048, 128
K = 1024
IC = 256

NC, NS = 2, 16
NW = NC * NS
SUBS_PER_B = NW // B
ROWS_PER_W = K // SUBS_PER_B
GCH = 8
NCH = ROWS_PER_W // GCH


def _rank_body(srow_ref, scol_ref, out_ref):
    c = pl.program_id(1)
    sj = srow_ref[0]
    si = scol_ref[0]
    jg = lax.broadcasted_iota(jnp.int32, (IC, N), 1)
    ig = c * IC + lax.broadcasted_iota(jnp.int32, (IC, N), 0)
    beats = (sj > si) | ((sj == si) & (jg < ig))
    rank = jnp.sum(jnp.where(beats, jnp.int32(1), jnp.int32(0)), axis=1)
    out_ref[...] = rank.reshape(1, IC, 1)


def _ranks(scores):
    scol = scores.reshape(B, N, 1)
    return pl.pallas_call(
        _rank_body,
        grid=(B, N // IC),
        in_specs=[
            pl.BlockSpec((1, 1, N), lambda b, c: (b, 0, 0)),
            pl.BlockSpec((1, IC, 1), lambda b, c: (b, c, 0)),
        ],
        out_specs=pl.BlockSpec((1, IC, 1), lambda b, c: (b, c, 0)),
        out_shape=jax.ShapeDtypeStruct((B, N, 1), jnp.int32),
    )(scores.reshape(B, 1, N), scol)


def _gather_rows_start(g2_hbm, rowidx_v, r0, buf, sem):
    return pltpu.async_copy(
        g2_hbm.at[rowidx_v.at[pl.ds(r0, GCH)]], buf, sem
    )


def _compute_chunk(grows, outg, idx_v, iota16):

    @plsc.parallel_loop(0, GCH)
    def row_body(rr):
        rsp = jnp.full((16,), rr & (GCH - 1), jnp.int32)

        @plsc.parallel_loop(0, K // 16, unroll=8,
                            carry=jnp.zeros((16,), jnp.float32))
        def gather_loop(c2, acc):
            col16 = idx_v[pl.ds(c2 * 16, 16)]
            xv = plsc.load_gather(grows, [rsp, col16])
            outg[rr, pl.ds(c2 * 16, 16)] = xv
            return acc + xv

        deg = jnp.full((16,), jnp.sum(gather_loop), jnp.float32) + EPS
        recip = jnp.full((16,), 1.0, jnp.float32) / deg

        @plsc.parallel_loop(0, K // 16, unroll=8)
        def scale_loop(c2):
            x = outg[rr, pl.ds(c2 * 16, 16)]
            outg[rr, pl.ds(c2 * 16, 16)] = x * recip


def _sc_pool_body(scores_hbm, ranks_hbm, g2_hbm, h2_hbm,
                  gnew_hbm, newh_hbm, idxo_hbm,
                  ranks_v, scores_v, idx_v, rowidx_v, vals_v,
                  hrows_v, grows_a, grows_b, outg_a, outg_b,
                  sem_h, sem_ho, sem_ia, sem_ib, sem_oa, sem_ob):
    wid = lax.axis_index("s") * NC + lax.axis_index("c")
    b = wid // SUBS_PER_B
    sub = wid % SUBS_PER_B
    rows0 = sub * ROWS_PER_W

    iota16 = lax.broadcasted_iota(jnp.int32, (16,), 0)

    pltpu.sync_copy(ranks_hbm.at[pl.ds(b * N, N)], ranks_v)
    pltpu.sync_copy(scores_hbm.at[pl.ds(b * N, N)], scores_v)

    @plsc.parallel_loop(0, N // 16)
    def body_a(i):
        r16 = ranks_v[pl.ds(i * 16, 16)]
        s16 = scores_v[pl.ds(i * 16, 16)]
        i16 = i * 16 + iota16
        m = r16 < K
        plsc.store_scatter(idx_v, [r16], i16, mask=m)
        plsc.store_scatter(rowidx_v, [r16], i16 + b * N, mask=m)
        plsc.store_scatter(vals_v, [r16], s16, mask=m)

    @pl.when(sub == 0)
    def _():
        pltpu.sync_copy(idx_v, idxo_hbm.at[pl.ds(b * K, K)])

    h_in = pltpu.async_copy(
        h2_hbm.at[rowidx_v.at[pl.ds(rows0, ROWS_PER_W)]], hrows_v, sem_h
    )
    _gather_rows_start(g2_hbm, rowidx_v, rows0, grows_a, sem_ia)

    h_in.wait()

    @plsc.parallel_loop(0, ROWS_PER_W)
    def body_b(r):
        v16 = plsc.load_gather(vals_v, [jnp.full((16,), rows0 + r, jnp.int32)])
        for cc in range(D // 16):
            x = hrows_v[r, pl.ds(cc * 16, 16)]
            hrows_v[r, pl.ds(cc * 16, 16)] = x * v16
    h_out = pltpu.async_copy(
        hrows_v, newh_hbm.at[pl.ds(b * K + rows0, ROWS_PER_W)], sem_ho
    )

    def pair_body(p, carry):
        r0a = rows0 + (2 * p) * GCH
        r0b = r0a + GCH
        _gather_rows_start(g2_hbm, rowidx_v, r0b, grows_b, sem_ib)
        pltpu.make_async_copy(
            g2_hbm.at[rowidx_v.at[pl.ds(r0a, GCH)]], grows_a, sem_ia
        ).wait()

        @pl.when(p > 0)
        def _():
            pltpu.make_async_copy(
                outg_a, gnew_hbm.at[pl.ds(b * K + r0a, GCH)], sem_oa
            ).wait()

        _compute_chunk(grows_a, outg_a, idx_v, iota16)
        pltpu.async_copy(outg_a, gnew_hbm.at[pl.ds(b * K + r0a, GCH)], sem_oa)

        @pl.when(p < NCH // 2 - 1)
        def _():
            _gather_rows_start(g2_hbm, rowidx_v, r0a + 2 * GCH, grows_a, sem_ia)

        pltpu.make_async_copy(
            g2_hbm.at[rowidx_v.at[pl.ds(r0b, GCH)]], grows_b, sem_ib
        ).wait()

        @pl.when(p > 0)
        def _():
            pltpu.make_async_copy(
                outg_b, gnew_hbm.at[pl.ds(b * K + r0b, GCH)], sem_ob
            ).wait()

        _compute_chunk(grows_b, outg_b, idx_v, iota16)
        pltpu.async_copy(outg_b, gnew_hbm.at[pl.ds(b * K + r0b, GCH)], sem_ob)
        return carry

    lax.fori_loop(0, NCH // 2, pair_body, 0)

    last_a = rows0 + (NCH - 2) * GCH
    last_b = rows0 + (NCH - 1) * GCH
    pltpu.make_async_copy(
        outg_a, gnew_hbm.at[pl.ds(b * K + last_a, GCH)], sem_oa
    ).wait()
    pltpu.make_async_copy(
        outg_b, gnew_hbm.at[pl.ds(b * K + last_b, GCH)], sem_ob
    ).wait()
    h_out.wait()


@functools.partial(jax.jit, static_argnames=())
def _sc_pool(scores, ranks, g2, h2):
    mesh = plsc.VectorSubcoreMesh(core_axis_name="c", subcore_axis_name="s")
    f = pl.kernel(
        _sc_pool_body,
        out_type=(
            jax.ShapeDtypeStruct((B * K, K), jnp.float32),
            jax.ShapeDtypeStruct((B * K, D), jnp.float32),
            jax.ShapeDtypeStruct((B * K,), jnp.int32),
        ),
        mesh=mesh,
        compiler_params=pltpu.CompilerParams(needs_layout_passes=False),
        scratch_types=(
            pltpu.VMEM((N,), jnp.int32),
            pltpu.VMEM((N,), jnp.float32),
            pltpu.VMEM((K,), jnp.int32),
            pltpu.VMEM((K,), jnp.int32),
            pltpu.VMEM((K,), jnp.float32),
            pltpu.VMEM((ROWS_PER_W, D), jnp.float32),
            pltpu.VMEM((GCH, N), jnp.float32),
            pltpu.VMEM((GCH, N), jnp.float32),
            pltpu.VMEM((GCH, K), jnp.float32),
            pltpu.VMEM((GCH, K), jnp.float32),
            pltpu.SemaphoreType.DMA,
            pltpu.SemaphoreType.DMA,
            pltpu.SemaphoreType.DMA,
            pltpu.SemaphoreType.DMA,
            pltpu.SemaphoreType.DMA,
            pltpu.SemaphoreType.DMA,
        ),
    )
    return f(scores, ranks, g2, h2)


def kernel(g, h, W, b):
    weights = jnp.squeeze(h @ W + b, -1)
    scores = jax.nn.sigmoid(weights)
    ranks = _ranks(scores).reshape(B * N)
    g_new, new_h, idx = _sc_pool(
        scores.reshape(B * N), ranks, g.reshape(B * N, N), h.reshape(B * N, D)
    )
    return (
        g_new.reshape(B, K, K),
        new_h.reshape(B, K, D),
        idx.reshape(B, K),
    )

# --- scband reference (transcript-rebuilt; emitter-appended) ---
"""Pipeline reference for scband-pool-85452669321471 (READ-ONLY COPY).

The authoritative reference and input builder live on the scoring server;
editing this copy changes nothing except your own understanding.
"""

import jax, jax.numpy as jnp
import numpy as np

EPS = 1e-10

def setup_inputs(seed: int = 0) -> dict:
    key = jax.random.key(seed)
    k1, k2, k3, k4 = jax.random.split(key, 4)
    B, N, D = 4, 2048, 128
    g = jax.random.uniform(k1, (B, N, N), dtype=jnp.float32)
    h = jax.random.normal(k2, (B, N, D), dtype=jnp.float32)
    # nn.Linear(in_dim, 1) params
    bound = 1.0 / np.sqrt(D)
    W = jax.random.uniform(k3, (D, 1), dtype=jnp.float32, minval=-bound, maxval=bound)
    b = jax.random.uniform(k4, (1,), dtype=jnp.float32, minval=-bound, maxval=bound)
    return {"g": g, "h": h, "W": W, "b": b}

def norm_g(g):
    degrees = jnp.sum(g, -1, keepdims=True)
    return g / (degrees + EPS)

def reference(g, h, W, b):
    # Dropout p=0 -> identity
    Z = h
    weights = jnp.squeeze(Z @ W + b, -1)          # [B, N]
    scores = jax.nn.sigmoid(weights)
    num_nodes = g.shape[-1]
    k_nodes = max(2, int(0.5 * num_nodes))        # k=0.5 -> 1024
    values, idx = jax.lax.top_k(scores, k_nodes)  # [B, K]
    # gather selected node features
    new_h = jnp.take_along_axis(h, idx[:, :, None], axis=1)   # [B, K, D]
    new_h = new_h * values[:, :, None]
    # gather rows then columns of adjacency
    un_g = jnp.take_along_axis(g, idx[:, :, None], axis=1)    # [B, K, N]
    un_g = jnp.take_along_axis(un_g, idx[:, None, :], axis=2) # [B, K, K]
    g_new = norm_g(un_g)
    return (g_new, new_h, idx)

if __name__ == "__main__":
    import jax
    _d = setup_inputs()
    print(jax.jit(kernel)(*tuple(_d.values())))

</pallas_src>

<mosaic_0001>
#map = affine_map<(d0, d1) -> (0)>
#map1 = affine_map<(d0, d1) -> (0, 0)>
module attributes {stable_mosaic.version = 14 : i64} {
  func.func @_sc_pool_body(%arg0: i32, %arg1: i32, %arg2: memref<8192xf32, #tpu.memory_space<hbm>>, %arg3: memref<8192xi32, #tpu.memory_space<hbm>>, %arg4: memref<8192x2048xf32, #tpu.memory_space<hbm>>, %arg5: memref<8192x128xf32, #tpu.memory_space<hbm>>, %arg6: memref<4096x1024xf32, #tpu.memory_space<hbm>>, %arg7: memref<4096x128xf32, #tpu.memory_space<hbm>>, %arg8: memref<4096xi32, #tpu.memory_space<hbm>>, %arg9: memref<2048xi32, #tpu.memory_space<vmem>>, %arg10: memref<2048xf32, #tpu.memory_space<vmem>>, %arg11: memref<1024xi32, #tpu.memory_space<vmem>>, %arg12: memref<1024xi32, #tpu.memory_space<vmem>>, %arg13: memref<1024xf32, #tpu.memory_space<vmem>>, %arg14: memref<128x128xf32, #tpu.memory_space<vmem>>, %arg15: memref<8x2048xf32, #tpu.memory_space<vmem>>, %arg16: memref<8x2048xf32, #tpu.memory_space<vmem>>, %arg17: memref<8x1024xf32, #tpu.memory_space<vmem>>, %arg18: memref<8x1024xf32, #tpu.memory_space<vmem>>, %arg19: memref<!tpu.dma_semaphore, #tpu.memory_space<semaphore_mem>>, %arg20: memref<!tpu.dma_semaphore, #tpu.memory_space<semaphore_mem>>, %arg21: memref<!tpu.dma_semaphore, #tpu.memory_space<semaphore_mem>>, %arg22: memref<!tpu.dma_semaphore, #tpu.memory_space<semaphore_mem>>, %arg23: memref<!tpu.dma_semaphore, #tpu.memory_space<semaphore_mem>>, %arg24: memref<!tpu.dma_semaphore, #tpu.memory_space<semaphore_mem>>) attributes {dimension_semantics = [#tpu.dimension_semantics<core_parallel>, #tpu.dimension_semantics<subcore_parallel>], iteration_bounds = array<i64: 2, 16>, scalar_prefetch = 0 : i64, scratch_operands = 16 : i64, tpu.core_type = #tpu.core_type<sc_vector_subcore>, window_params = [{transform_indices = #map}, {transform_indices = #map}, {transform_indices = #map1}, {transform_indices = #map1}, {transform_indices = #map1}, {transform_indices = #map1}, {transform_indices = #map}]} {
    %mul3A = arith.constant 2 : i32
    %mul3A_0 = arith.muli %arg1, %mul3A : i32
    %add3A = arith.addi %mul3A_0, %arg0 : i32
    %jit3A = arith.constant 8 : i32
    %div3A = arith.divsi %add3A, %jit3A : i32
    %sign3A = arith.constant 0 : i32
    %sign3A_1 = arith.cmpi sgt, %add3A, %sign3A : i32
    %sign3A_2 = arith.extui %sign3A_1 : i1 to i32
    %sign3A_3 = arith.constant 0 : i32
    %sign3A_4 = arith.cmpi slt, %add3A, %sign3A_3 : i32
    %sign3A_5 = arith.extui %sign3A_4 : i1 to i32
    %sign3A_6 = arith.subi %sign3A_2, %sign3A_5 : i32
    %sign3A_7 = arith.constant 0 : i32
    %sign3A_8 = arith.cmpi sgt, %jit3A, %sign3A_7 : i32
    %sign3A_9 = arith.extui %sign3A_8 : i1 to i32
    %sign3A_10 = arith.constant 0 : i32
    %sign3A_11 = arith.cmpi slt, %jit3A, %sign3A_10 : i32
    %sign3A_12 = arith.extui %sign3A_11 : i1 to i32
    %sign3A_13 = arith.subi %sign3A_9, %sign3A_12 : i32
    %ne3A = arith.cmpi ne, %sign3A_6, %sign3A_13 : i32
    %rem3A = arith.remsi %add3A, %jit3A : i32
    %ne3A_14 = arith.constant 0 : i32
    %ne3A_15 = arith.cmpi ne, %rem3A, %ne3A_14 : i32
    %and3A = arith.andi %ne3A, %ne3A_15 : i1
    %sub3A = arith.constant 1 : i32
    %sub3A_16 = arith.subi %div3A, %sub3A : i32
    %select_n3A = arith.select %and3A, %sub3A_16, %div3A : i32
    %jit3A_17 = arith.constant 8 : i32
    %eq3A = arith.constant 0 : i32
    %eq3A_18 = arith.cmpi eq, %jit3A_17, %eq3A : i32
    %jit3A_19 = arith.constant 1 : i32
    %select_n3A_20 = arith.select %eq3A_18, %jit3A_19, %jit3A_17 : i32
    %rem3A_21 = arith.remsi %add3A, %select_n3A_20 : i32
    %ne3A_22 = arith.constant 0 : i32
    %ne3A_23 = arith.cmpi ne, %rem3A_21, %ne3A_22 : i32
    %lt3A = arith.constant 0 : i32
    %lt3A_24 = arith.cmpi slt, %rem3A_21, %lt3A : i32
    %lt3A_25 = arith.constant 0 : i32
    %lt3A_26 = arith.cmpi slt, %select_n3A_20, %lt3A_25 : i32
    %ne3A_27 = arith.xori %lt3A_24, %lt3A_26 : i1
    %and3A_28 = arith.andi %ne3A_27, %ne3A_23 : i1
    %add3A_29 = arith.addi %rem3A_21, %select_n3A_20 : i32
    %select_n3A_30 = arith.select %and3A_28, %add3A_29, %rem3A_21 : i32
    %mul3A_31 = arith.constant 128 : i32
    %mul3A_32 = arith.muli %select_n3A_30, %mul3A_31 : i32
    %iota3A = tpu.iota {dimensions = array<i32: 0>} : vector<16xi32>
    %mul3A_33 = arith.constant 2048 : i32
    %mul3A_34 = arith.muli %select_n3A, %mul3A_33 : i32
    "tpu.region"() ({
      %run_scoped3A = tpu.sem_alloc : memref<!tpu.dma_semaphore, #tpu.memory_space<semaphore_mem>>
      %dma_start3A_89 = tpu.memref_slice %arg3[%mul3A_34] : memref<8192xi32, #tpu.memory_space<hbm>> -> memref<2048xi32, #tpu.memory_space<hbm>>
      %dma_start3A_90 = tpu.memref_slice %arg3[%mul3A_34] : memref<8192xi32, #tpu.memory_space<hbm>> -> memref<2048xi32, #tpu.memory_space<hbm>>
      tpu.enqueue_dma source(%dma_start3A_90 : memref<2048xi32, #tpu.memory_space<hbm>>) target(%arg9 : memref<2048xi32, #tpu.memory_space<vmem>>) target_semaphore(%run_scoped3A : memref<!tpu.dma_semaphore, #tpu.memory_space<semaphore_mem>>)
      %dma_wait3A_91 = tpu.memref_slice %arg3[%mul3A_34] : memref<8192xi32, #tpu.memory_space<hbm>> -> memref<2048xi32, #tpu.memory_space<hbm>>
      %dma_wait3A_92 = tpu.memref_slice %arg3[%mul3A_34] : memref<8192xi32, #tpu.memory_space<hbm>> -> memref<2048xi32, #tpu.memory_space<hbm>>
      tpu.wait_dma2 semaphore(%run_scoped3A : memref<!tpu.dma_semaphore, #tpu.memory_space<semaphore_mem>>) src(%dma_wait3A_92 : memref<2048xi32, #tpu.memory_space<hbm>>) dst(%arg9 : memref<2048xi32, #tpu.memory_space<vmem>>)
      tpu.yield
    }) : () -> ()
    %mul3A_35 = arith.constant 2048 : i32
    %mul3A_36 = arith.muli %select_n3A, %mul3A_35 : i32
    "tpu.region"() ({
      %run_scoped3A = tpu.sem_alloc : memref<!tpu.dma_semaphore, #tpu.memory_space<semaphore_mem>>
      %dma_start3A_89 = tpu.memref_slice %arg2[%mul3A_36] : memref<8192xf32, #tpu.memory_space<hbm>> -> memref<2048xf32, #tpu.memory_space<hbm>>
      %dma_start3A_90 = tpu.memref_slice %arg2[%mul3A_36] : memref<8192xf32, #tpu.memory_space<hbm>> -> memref<2048xf32, #tpu.memory_space<hbm>>
      tpu.enqueue_dma source(%dma_start3A_90 : memref<2048xf32, #tpu.memory_space<hbm>>) target(%arg10 : memref<2048xf32, #tpu.memory_space<vmem>>) target_semaphore(%run_scoped3A : memref<!tpu.dma_semaphore, #tpu.memory_space<semaphore_mem>>)
      %dma_wait3A_91 = tpu.memref_slice %arg2[%mul3A_36] : memref<8192xf32, #tpu.memory_space<hbm>> -> memref<2048xf32, #tpu.memory_space<hbm>>
      %dma_wait3A_92 = tpu.memref_slice %arg2[%mul3A_36] : memref<8192xf32, #tpu.memory_space<hbm>> -> memref<2048xf32, #tpu.memory_space<hbm>>
      tpu.wait_dma2 semaphore(%run_scoped3A : memref<!tpu.dma_semaphore, #tpu.memory_space<semaphore_mem>>) src(%dma_wait3A_92 : memref<2048xf32, #tpu.memory_space<hbm>>) dst(%arg10 : memref<2048xf32, #tpu.memory_space<vmem>>)
      tpu.yield
    }) : () -> ()
    %parallel_loop3A = arith.constant 0 : i32
    %parallel_loop3A_37 = arith.constant 128 : i32
    %parallel_loop3A_38 = arith.constant 1 : i32
    scf.for %parallel_loop3A_89 = %parallel_loop3A to %parallel_loop3A_37 step %parallel_loop3A_38  : i32 {
      %parallel_loop3A_90 = arith.constant 16 : i32
      %parallel_loop3A_91 = arith.muli %parallel_loop3A_89, %parallel_loop3A_90 : i32
      %parallel_loop3A_92 = arith.index_cast %parallel_loop3A_91 : i32 to index
      %parallel_loop3A_93 = tpu.vector_load %arg9[%parallel_loop3A_92] {strides = array<i32>} : memref<2048xi32, #tpu.memory_space<vmem>>, vector<16xi32>,
      %parallel_loop3A_94 = arith.constant 16 : i32
      %parallel_loop3A_95 = arith.muli %parallel_loop3A_89, %parallel_loop3A_94 : i32
      %parallel_loop3A_96 = arith.index_cast %parallel_loop3A_95 : i32 to index
      %parallel_loop3A_97 = tpu.vector_load %arg10[%parallel_loop3A_96] {strides = array<i32>} : memref<2048xf32, #tpu.memory_space<vmem>>, vector<16xf32>,
      %parallel_loop3A_98 = arith.constant 16 : i32
      %parallel_loop3A_99 = arith.muli %parallel_loop3A_89, %parallel_loop3A_98 : i32
      %parallel_loop3A_100 = vector.broadcast %parallel_loop3A_99 : i32 to vector<16xi32>
      %parallel_loop3A_101 = arith.addi %parallel_loop3A_100, %iota3A : vector<16xi32>
      %parallel_loop3A_102 = arith.constant 1024 : i32
      %parallel_loop3A_103 = vector.broadcast %parallel_loop3A_102 : i32 to vector<16xi32>
      %parallel_loop3A_104 = arith.cmpi slt, %parallel_loop3A_93, %parallel_loop3A_103 : vector<16xi32>
      tpu.vector_store_idx %arg11[%parallel_loop3A_93], %parallel_loop3A_101 masked %parallel_loop3A_104 : memref<1024xi32, #tpu.memory_space<vmem>>[vector<16xi32>], vector<16xi32>, vector<16xi1>
      %parallel_loop3A_105 = arith.constant 2048 : i32
      %parallel_loop3A_106 = arith.muli %select_n3A, %parallel_loop3A_105 : i32
      %parallel_loop3A_107 = vector.broadcast %parallel_loop3A_106 : i32 to vector<16xi32>
      %parallel_loop3A_108 = arith.addi %parallel_loop3A_101, %parallel_loop3A_107 : vector<16xi32>
      tpu.vector_store_idx %arg12[%parallel_loop3A_93], %parallel_loop3A_108 masked %parallel_loop3A_104 : memref<1024xi32, #tpu.memory_space<vmem>>[vector<16xi32>], vector<16xi32>, vector<16xi1>
      tpu.vector_store_idx %arg13[%parallel_loop3A_93], %parallel_loop3A_97 masked %parallel_loop3A_104 : memref<1024xf32, #tpu.memory_space<vmem>>[vector<16xi32>], vector<16xf32>, vector<16xi1>
    } {sc.loop_unroll_factor = 1 : i64, sc.parallel_access}
    %eq3A_39 = arith.constant 0 : i32
    %eq3A_40 = arith.cmpi eq, %select_n3A_30, %eq3A_39 : i32
    %convert_element_type3A = arith.extui %eq3A_40 : i1 to i32
    %cond3A = arith.constant 0 : i32
    %cond3A_41 = arith.cmpi ne, %convert_element_type3A, %cond3A : i32
    scf.if %cond3A_41 {
      %mul3A_89 = arith.constant 1024 : i32
      %mul3A_90 = arith.muli %select_n3A, %mul3A_89 : i32
      "tpu.region"() ({
        %run_scoped3A = tpu.sem_alloc : memref<!tpu.dma_semaphore, #tpu.memory_space<semaphore_mem>>
        %dma_start3A_91 = tpu.memref_slice %arg8[%mul3A_90] : memref<4096xi32, #tpu.memory_space<hbm>> -> memref<1024xi32, #tpu.memory_space<hbm>>
        %dma_start3A_92 = tpu.memref_slice %arg8[%mul3A_90] : memref<4096xi32, #tpu.memory_space<hbm>> -> memref<1024xi32, #tpu.memory_space<hbm>>
        tpu.enqueue_dma source(%arg11 : memref<1024xi32, #tpu.memory_space<vmem>>) target(%dma_start3A_92 : memref<1024xi32, #tpu.memory_space<hbm>>) target_semaphore(%run_scoped3A : memref<!tpu.dma_semaphore, #tpu.memory_space<semaphore_mem>>)
        %dma_wait3A_93 = tpu.memref_slice %arg8[%mul3A_90] : memref<4096xi32, #tpu.memory_space<hbm>> -> memref<1024xi32, #tpu.memory_space<hbm>>
        %dma_wait3A_94 = tpu.memref_slice %arg8[%mul3A_90] : memref<4096xi32, #tpu.memory_space<hbm>> -> memref<1024xi32, #tpu.memory_space<hbm>>
        tpu.wait_dma2 semaphore(%run_scoped3A : memref<!tpu.dma_semaphore, #tpu.memory_space<semaphore_mem>>) src(%arg11 : memref<1024xi32, #tpu.memory_space<vmem>>) dst(%dma_wait3A_94 : memref<1024xi32, #tpu.memory_space<hbm>>)
        tpu.yield
      }) : () -> ()
    } else {
    }
    %dma_start3A = tpu.memref_slice %arg12[%mul3A_32] : memref<1024xi32, #tpu.memory_space<vmem>> -> memref<128xi32, #tpu.memory_space<vmem>>
    %dma_start3A_42 = arith.constant 0 : i32
    %dma_start3A_43 = arith.constant 0 : i32
    %dma_start3A_44 = tpu.memref_slice %arg5[%dma_start3A_42, %dma_start3A_43] : memref<8192x128xf32, #tpu.memory_space<hbm>> -> memref<8192x128xf32, #tpu.memory_space<hbm>>
    tpu.enqueue_indirect_dma source(%dma_start3A_44 : memref<8192x128xf32, #tpu.memory_space<hbm>>) target(%arg14 : memref<128x128xf32, #tpu.memory_space<vmem>>) offsets(%dma_start3A : memref<128xi32, #tpu.memory_space<vmem>>) semaphore(%arg19 : memref<!tpu.dma_semaphore, #tpu.memory_space<semaphore_mem>>)
    %dma_start3A_45 = tpu.memref_slice %arg12[%mul3A_32] : memref<1024xi32, #tpu.memory_space<vmem>> -> memref<8xi32, #tpu.memory_space<vmem>>
    %dma_start3A_46 = arith.constant 0 : i32
    %dma_start3A_47 = arith.constant 0 : i32
    %dma_start3A_48 = tpu.memref_slice %arg4[%dma_start3A_46, %dma_start3A_47] : memref<8192x2048xf32, #tpu.memory_space<hbm>> -> memref<8192x2048xf32, #tpu.memory_space<hbm>>
    tpu.enqueue_indirect_dma source(%dma_start3A_48 : memref<8192x2048xf32, #tpu.memory_space<hbm>>) target(%arg15 : memref<8x2048xf32, #tpu.memory_space<vmem>>) offsets(%dma_start3A_45 : memref<8xi32, #tpu.memory_space<vmem>>) semaphore(%arg21 : memref<!tpu.dma_semaphore, #tpu.memory_space<semaphore_mem>>)
    %dma_wait3A = tpu.memref_slice %arg12[%mul3A_32] : memref<1024xi32, #tpu.memory_space<vmem>> -> memref<128xi32, #tpu.memory_space<vmem>>
    %dma_wait3A_49 = arith.constant 0 : i32
    %dma_wait3A_50 = arith.constant 0 : i32
    %dma_wait3A_51 = tpu.memref_slice %arg5[%dma_wait3A_49, %dma_wait3A_50] : memref<8192x128xf32, #tpu.memory_space<hbm>> -> memref<8192x128xf32, #tpu.memory_space<hbm>>
    tpu.wait_indirect_dma semaphore(%arg19 : memref<!tpu.dma_semaphore, #tpu.memory_space<semaphore_mem>>) src(%dma_wait3A_51 : memref<8192x128xf32, #tpu.memory_space<hbm>>) dst(%arg14 : memref<128x128xf32, #tpu.memory_space<vmem>>)
    %parallel_loop3A_52 = arith.constant 0 : i32
    %parallel_loop3A_53 = arith.constant 128 : i32
    %parallel_loop3A_54 = arith.constant 1 : i32
    scf.for %parallel_loop3A_89 = %parallel_loop3A_52 to %parallel_loop3A_53 step %parallel_loop3A_54  : i32 {
      %parallel_loop3A_90 = arith.addi %mul3A_32, %parallel_loop3A_89 : i32
      %parallel_loop3A_91 = vector.broadcast %parallel_loop3A_90 : i32 to vector<16xi32>
      %parallel_loop3A_92 = tpu.vector_load_idx %arg13[%parallel_loop3A_91] : memref<1024xf32, #tpu.memory_space<vmem>>[vector<16xi32>], vector<16xf32>,
      %parallel_loop3A_93 = arith.index_cast %parallel_loop3A_89 : i32 to index
      %parallel_loop3A_94 = arith.constant 0 : index
      %parallel_loop3A_95 = tpu.vector_load %arg14[%parallel_loop3A_93, %parallel_loop3A_94] {strides = array<i32>} : memref<128x128xf32, #tpu.memory_space<vmem>>, vector<16xf32>,
      %parallel_loop3A_96 = arith.mulf %parallel_loop3A_95, %parallel_loop3A_92 : vector<16xf32>
      %parallel_loop3A_97 = arith.index_cast %parallel_loop3A_89 : i32 to index
      %parallel_loop3A_98 = arith.constant 0 : index
      %parallel_loop3A_99 = tpu.vector_load %arg14[%parallel_loop3A_97, %parallel_loop3A_98] {strides = array<i32>} : memref<128x128xf32, #tpu.memory_space<vmem>>, vector<16xf32>,
      tpu.vector_store %arg14[%parallel_loop3A_97, %parallel_loop3A_98], %parallel_loop3A_96 {strides = array<i32>} : memref<128x128xf32, #tpu.memory_space<vmem>>, vector<16xf32>,
      %parallel_loop3A_100 = arith.index_cast %parallel_loop3A_89 : i32 to index
      %parallel_loop3A_101 = arith.constant 16 : index
      %parallel_loop3A_102 = tpu.vector_load %arg14[%parallel_loop3A_100, %parallel_loop3A_101] {strides = array<i32>} : memref<128x128xf32, #tpu.memory_space<vmem>>, vector<16xf32>,
      %parallel_loop3A_103 = arith.mulf %parallel_loop3A_102, %parallel_loop3A_92 : vector<16xf32>
      %parallel_loop3A_104 = arith.index_cast %parallel_loop3A_89 : i32 to index
      %parallel_loop3A_105 = arith.constant 16 : index
      %parallel_loop3A_106 = tpu.vector_load %arg14[%parallel_loop3A_104, %parallel_loop3A_105] {strides = array<i32>} : memref<128x128xf32, #tpu.memory_space<vmem>>, vector<16xf32>,
      tpu.vector_store %arg14[%parallel_loop3A_104, %parallel_loop3A_105], %parallel_loop3A_103 {strides = array<i32>} : memref<128x128xf32, #tpu.memory_space<vmem>>, vector<16xf32>,
      %parallel_loop3A_107 = arith.index_cast %parallel_loop3A_89 : i32 to index
      %parallel_loop3A_108 = arith.constant 32 : index
      %parallel_loop3A_109 = tpu.vector_load %arg14[%parallel_loop3A_107, %parallel_loop3A_108] {strides = array<i32>} : memref<128x128xf32, #tpu.memory_space<vmem>>, vector<16xf32>,
      %parallel_loop3A_110 = arith.mulf %parallel_loop3A_109, %parallel_loop3A_92 : vector<16xf32>
      %parallel_loop3A_111 = arith.index_cast %parallel_loop3A_89 : i32 to index
      %parallel_loop3A_112 = arith.constant 32 : index
      %parallel_loop3A_113 = tpu.vector_load %arg14[%parallel_loop3A_111, %parallel_loop3A_112] {strides = array<i32>} : memref<128x128xf32, #tpu.memory_space<vmem>>, vector<16xf32>,
      tpu.vector_store %arg14[%parallel_loop3A_111, %parallel_loop3A_112], %parallel_loop3A_110 {strides = array<i32>} : memref<128x128xf32, #tpu.memory_space<vmem>>, vector<16xf32>,
      %parallel_loop3A_114 = arith.index_cast %parallel_loop3A_89 : i32 to index
      %parallel_loop3A_115 = arith.constant 48 : index
      %parallel_loop3A_116 = tpu.vector_load %arg14[%parallel_loop3A_114, %parallel_loop3A_115] {strides = array<i32>} : memref<128x128xf32, #tpu.memory_space<vmem>>, vector<16xf32>,
      %parallel_loop3A_117 = arith.mulf %parallel_loop3A_116, %parallel_loop3A_92 : vector<16xf32>
      %parallel_loop3A_118 = arith.index_cast %parallel_loop3A_89 : i32 to index
      %parallel_loop3A_119 = arith.constant 48 : index
      %parallel_loop3A_120 = tpu.vector_load %arg14[%parallel_loop3A_118, %parallel_loop3A_119] {strides = array<i32>} : memref<128x128xf32, #tpu.memory_space<vmem>>, vector<16xf32>,
      tpu.vector_store %arg14[%parallel_loop3A_118, %parallel_loop3A_119], %parallel_loop3A_117 {strides = array<i32>} : memref<128x128xf32, #tpu.memory_space<vmem>>, vector<16xf32>,
      %parallel_loop3A_121 = arith.index_cast %parallel_loop3A_89 : i32 to index
      %parallel_loop3A_122 = arith.constant 64 : index
      %parallel_loop3A_123 = tpu.vector_load %arg14[%parallel_loop3A_121, %parallel_loop3A_122] {strides = array<i32>} : memref<128x128xf32, #tpu.memory_space<vmem>>, vector<16xf32>,
      %parallel_loop3A_124 = arith.mulf %parallel_loop3A_123, %parallel_loop3A_92 : vector<16xf32>
      %parallel_loop3A_125 = arith.index_cast %parallel_loop3A_89 : i32 to index
      %parallel_loop3A_126 = arith.constant 64 : index
      %parallel_loop3A_127 = tpu.vector_load %arg14[%parallel_loop3A_125, %parallel_loop3A_126] {strides = array<i32>} : memref<128x128xf32, #tpu.memory_space<vmem>>, vector<16xf32>,
      tpu.vector_store %arg14[%parallel_loop3A_125, %parallel_loop3A_126], %parallel_loop3A_124 {strides = array<i32>} : memref<128x128xf32, #tpu.memory_space<vmem>>, vector<16xf32>,
      %parallel_loop3A_128 = arith.index_cast %parallel_loop3A_89 : i32 to index
      %parallel_loop3A_129 = arith.constant 80 : index
      %parallel_loop3A_130 = tpu.vector_load %arg14[%parallel_loop3A_128, %parallel_loop3A_129] {strides = array<i32>} : memref<128x128xf32, #tpu.memory_space<vmem>>, vector<16xf32>,
      %parallel_loop3A_131 = arith.mulf %parallel_loop3A_130, %parallel_loop3A_92 : vector<16xf32>
      %parallel_loop3A_132 = arith.index_cast %parallel_loop3A_89 : i32 to index
      %parallel_loop3A_133 = arith.constant 80 : index
      %parallel_loop3A_134 = tpu.vector_load %arg14[%parallel_loop3A_132, %parallel_loop3A_133] {strides = array<i32>} : memref<128x128xf32, #tpu.memory_space<vmem>>, vector<16xf32>,
      tpu.vector_store %arg14[%parallel_loop3A_132, %parallel_loop3A_133], %parallel_loop3A_131 {strides = array<i32>} : memref<128x128xf32, #tpu.memory_space<vmem>>, vector<16xf32>,
      %parallel_loop3A_135 = arith.index_cast %parallel_loop3A_89 : i32 to index
      %parallel_loop3A_136 = arith.constant 96 : index
      %parallel_loop3A_137 = tpu.vector_load %arg14[%parallel_loop3A_135, %parallel_loop3A_136] {strides = array<i32>} : memref<128x128xf32, #tpu.memory_space<vmem>>, vector<16xf32>,
      %parallel_loop3A_138 = arith.mulf %parallel_loop3A_137, %parallel_loop3A_92 : vector<16xf32>
      %parallel_loop3A_139 = arith.index_cast %parallel_loop3A_89 : i32 to index
      %parallel_loop3A_140 = arith.constant 96 : index
      %parallel_loop3A_141 = tpu.vector_load %arg14[%parallel_loop3A_139, %parallel_loop3A_140] {strides = array<i32>} : memref<128x128xf32, #tpu.memory_space<vmem>>, vector<16xf32>,
      tpu.vector_store %arg14[%parallel_loop3A_139, %parallel_loop3A_140], %parallel_loop3A_138 {strides = array<i32>} : memref<128x128xf32, #tpu.memory_space<vmem>>, vector<16xf32>,
      %parallel_loop3A_142 = arith.index_cast %parallel_loop3A_89 : i32 to index
      %parallel_loop3A_143 = arith.constant 112 : index
      %parallel_loop3A_144 = tpu.vector_load %arg14[%parallel_loop3A_142, %parallel_loop3A_143] {strides = array<i32>} : memref<128x128xf32, #tpu.memory_space<vmem>>, vector<16xf32>,
      %parallel_loop3A_145 = arith.mulf %parallel_loop3A_144, %parallel_loop3A_92 : vector<16xf32>
      %parallel_loop3A_146 = arith.index_cast %parallel_loop3A_89 : i32 to index
      %parallel_loop3A_147 = arith.constant 112 : index
      %parallel_loop3A_148 = tpu.vector_load %arg14[%parallel_loop3A_146, %parallel_loop3A_147] {strides = array<i32>} : memref<128x128xf32, #tpu.memory_space<vmem>>, vector<16xf32>,
      tpu.vector_store %arg14[%parallel_loop3A_146, %parallel_loop3A_147], %parallel_loop3A_145 {strides = array<i32>} : memref<128x128xf32, #tpu.memory_space<vmem>>, vector<16xf32>,
    } {sc.loop_unroll_factor = 1 : i64, sc.parallel_access}
    %mul3A_55 = arith.constant 1024 : i32
    %mul3A_56 = arith.muli %select_n3A, %mul3A_55 : i32
    %add3A_57 = arith.addi %mul3A_56, %mul3A_32 : i32
    %dma_start3A_58 = arith.constant 0 : i32
    %dma_start3A_59 = tpu.memref_slice %arg7[%add3A_57, %dma_start3A_58] : memref<4096x128xf32, #tpu.memory_space<hbm>> -> memref<128x128xf32, #tpu.memory_space<hbm>>
    %dma_start3A_60 = arith.constant 0 : i32
    %dma_start3A_61 = tpu.memref_slice %arg7[%add3A_57, %dma_start3A_60] : memref<4096x128xf32, #tpu.memory_space<hbm>> -> memref<128x128xf32, #tpu.memory_space<hbm>>
    tpu.enqueue_dma source(%arg14 : memref<128x128xf32, #tpu.memory_space<vmem>>) target(%dma_start3A_61 : memref<128x128xf32, #tpu.memory_space<hbm>>) target_semaphore(%arg20 : memref<!tpu.dma_semaphore, #tpu.memory_space<semaphore_mem>>)
    %scan3A = arith.constant 0 : i32
    %scan3A_62 = arith.constant 0 : i32
    %scan3A_63 = arith.constant 8 : i32
    %scan3A_64 = arith.addi %scan3A_62, %scan3A_63 : i32
    %scan3A_65 = arith.constant 1 : i32
    scf.for %scan3A_89 = %scan3A_62 to %scan3A_64 step %scan3A_65  : i32 {
      %mul3A_90 = arith.constant 2 : i32
      %mul3A_91 = arith.muli %mul3A_90, %scan3A_89 : i32
      %mul3A_92 = arith.constant 8 : i32
      %mul3A_93 = arith.muli %mul3A_91, %mul3A_92 : i32
      %add3A_94 = arith.addi %mul3A_32, %mul3A_93 : i32
      %add3A_95 = arith.constant 8 : i32
      %add3A_96 = arith.addi %add3A_94, %add3A_95 : i32
      %dma_start3A_97 = tpu.memref_slice %arg12[%add3A_96] : memref<1024xi32, #tpu.memory_space<vmem>> -> memref<8xi32, #tpu.memory_space<vmem>>
      %dma_start3A_98 = arith.constant 0 : i32
      %dma_start3A_99 = arith.constant 0 : i32
      %dma_start3A_100 = tpu.memref_slice %arg4[%dma_start3A_98, %dma_start3A_99] : memref<8192x2048xf32, #tpu.memory_space<hbm>> -> memref<8192x2048xf32, #tpu.memory_space<hbm>>
      tpu.enqueue_indirect_dma source(%dma_start3A_100 : memref<8192x2048xf32, #tpu.memory_space<hbm>>) target(%arg16 : memref<8x2048xf32, #tpu.memory_space<vmem>>) offsets(%dma_start3A_97 : memref<8xi32, #tpu.memory_space<vmem>>) semaphore(%arg22 : memref<!tpu.dma_semaphore, #tpu.memory_space<semaphore_mem>>)
      %dma_wait3A_101 = tpu.memref_slice %arg12[%add3A_94] : memref<1024xi32, #tpu.memory_space<vmem>> -> memref<8xi32, #tpu.memory_space<vmem>>
      %dma_wait3A_102 = arith.constant 0 : i32
      %dma_wait3A_103 = arith.constant 0 : i32
      %dma_wait3A_104 = tpu.memref_slice %arg4[%dma_wait3A_102, %dma_wait3A_103] : memref<8192x2048xf32, #tpu.memory_space<hbm>> -> memref<8192x2048xf32, #tpu.memory_space<hbm>>
      tpu.wait_indirect_dma semaphore(%arg21 : memref<!tpu.dma_semaphore, #tpu.memory_space<semaphore_mem>>) src(%dma_wait3A_104 : memref<8192x2048xf32, #tpu.memory_space<hbm>>) dst(%arg15 : memref<8x2048xf32, #tpu.memory_space<vmem>>)
      %gt3A = arith.constant 0 : i32
      %gt3A_105 = arith.cmpi sgt, %scan3A_89, %gt3A : i32
      %convert_element_type3A_106 = arith.extui %gt3A_105 : i1 to i32
      %cond3A_107 = arith.constant 0 : i32
      %cond3A_108 = arith.cmpi ne, %convert_element_type3A_106, %cond3A_107 : i32
      scf.if %cond3A_108 {
        %mul3A_143 = arith.constant 1024 : i32
        %mul3A_144 = arith.muli %select_n3A, %mul3A_143 : i32
        %add3A_145 = arith.addi %mul3A_144, %add3A_94 : i32
        %dma_wait3A_146 = arith.constant 0 : i32
        %dma_wait3A_147 = tpu.memref_slice %arg6[%add3A_145, %dma_wait3A_146] : memref<4096x1024xf32, #tpu.memory_space<hbm>> -> memref<8x1024xf32, #tpu.memory_space<hbm>>
        %dma_wait3A_148 = arith.constant 0 : i32
        %dma_wait3A_149 = tpu.memref_slice %arg6[%add3A_145, %dma_wait3A_148] : memref<4096x1024xf32, #tpu.memory_space<hbm>> -> memref<8x1024xf32, #tpu.memory_space<hbm>>
        tpu.wait_dma2 semaphore(%arg23 : memref<!tpu.dma_semaphore, #tpu.memory_space<semaphore_mem>>) src(%arg17 : memref<8x1024xf32, #tpu.memory_space<vmem>>) dst(%dma_wait3A_149 : memref<8x1024xf32, #tpu.memory_space<hbm>>)
      } else {
      }
      %parallel_loop3A_109 = arith.constant 0 : i32
      %parallel_loop3A_110 = arith.constant 8 : i32
      %parallel_loop3A_111 = arith.constant 1 : i32
      scf.for %parallel_loop3A_143 = %parallel_loop3A_109 to %parallel_loop3A_110 step %parallel_loop3A_111  : i32 {
        %parallel_loop3A_144 = arith.constant 7 : i32
        %parallel_loop3A_145 = arith.andi %parallel_loop3A_143, %parallel_loop3A_144 : i32
        %parallel_loop3A_146 = vector.broadcast %parallel_loop3A_145 : i32 to vector<16xi32>
        %parallel_loop3A_147 = arith.constant 0.000000e+00 : f32
        %parallel_loop3A_148 = vector.broadcast %parallel_loop3A_147 : f32 to vector<16xf32>
        %parallel_loop3A_149 = arith.constant 0 : i32
        %parallel_loop3A_150 = arith.constant 64 : i32
        %parallel_loop3A_151 = arith.constant 1 : i32
        %parallel_loop3A_152 = scf.for %parallel_loop3A_167 = %parallel_loop3A_149 to %parallel_loop3A_150 step %parallel_loop3A_151 iter_args(%parallel_loop3A_168 = %parallel_loop3A_148) -> (vector<16xf32>)  : i32 {
          %parallel_loop3A_169 = arith.constant 16 : i32
          %parallel_loop3A_170 = arith.muli %parallel_loop3A_167, %parallel_loop3A_169 : i32
          %parallel_loop3A_171 = arith.index_cast %parallel_loop3A_170 : i32 to index
          %parallel_loop3A_172 = tpu.vector_load %arg11[%parallel_loop3A_171] {strides = array<i32>} : memref<1024xi32, #tpu.memory_space<vmem>>, vector<16xi32>,
          %parallel_loop3A_173 = tpu.vector_load_idx %arg15[%parallel_loop3A_146, %parallel_loop3A_172] : memref<8x2048xf32, #tpu.memory_space<vmem>>[vector<16xi32>, vector<16xi32>], vector<16xf32>,
          %parallel_loop3A_174 = arith.constant 16 : i32
          %parallel_loop3A_175 = arith.muli %parallel_loop3A_167, %parallel_loop3A_174 : i32
          %parallel_loop3A_176 = arith.index_cast %parallel_loop3A_143 : i32 to index
          %parallel_loop3A_177 = arith.index_cast %parallel_loop3A_175 : i32 to index
          %parallel_loop3A_178 = tpu.vector_load %arg17[%parallel_loop3A_176, %parallel_loop3A_177] {strides = array<i32>} : memref<8x1024xf32, #tpu.memory_space<vmem>>, vector<16xf32>,
          tpu.vector_store %arg17[%parallel_loop3A_176, %parallel_loop3A_177], %parallel_loop3A_173 {strides = array<i32>} : memref<8x1024xf32, #tpu.memory_space<vmem>>, vector<16xf32>,
          %parallel_loop3A_179 = arith.addf %parallel_loop3A_168, %parallel_loop3A_173 : vector<16xf32>
          scf.yield %parallel_loop3A_179 : vector<16xf32>
        } {sc.loop_unroll_factor = 8 : i64, sc.parallel_access}
        %parallel_loop3A_153 = arith.constant true
        %parallel_loop3A_154 = vector.broadcast %parallel_loop3A_153 : i1 to vector<16xi1>
        %parallel_loop3A_155 = tpu.scan <sum>, %parallel_loop3A_152 masked %parallel_loop3A_154 : vector<16xf32>, vector<16xi1> -> vector<16xf32>
        %parallel_loop3A_156 = vector.extract %parallel_loop3A_155[15] : f32 from vector<16xf32>
        %parallel_loop3A_157 = vector.broadcast %parallel_loop3A_156 : f32 to vector<16xf32>
        %parallel_loop3A_158 = arith.constant 1.000000e-10 : f32
        %parallel_loop3A_159 = vector.broadcast %parallel_loop3A_158 : f32 to vector<16xf32>
        %parallel_loop3A_160 = arith.addf %parallel_loop3A_157, %parallel_loop3A_159 : vector<16xf32>
        %parallel_loop3A_161 = arith.constant 1.000000e+00 : f32
        %parallel_loop3A_162 = vector.broadcast %parallel_loop3A_161 : f32 to vector<16xf32>
        %parallel_loop3A_163 = arith.divf %parallel_loop3A_162, %parallel_loop3A_160 : vector<16xf32>
        %parallel_loop3A_164 = arith.constant 0 : i32
        %parallel_loop3A_165 = arith.constant 64 : i32
        %parallel_loop3A_166 = arith.constant 1 : i32
        scf.for %parallel_loop3A_167 = %parallel_loop3A_164 to %parallel_loop3A_165 step %parallel_loop3A_166  : i32 {
          %parallel_loop3A_168 = arith.constant 16 : i32
          %parallel_loop3A_169 = arith.muli %parallel_loop3A_167, %parallel_loop3A_168 : i32
          %parallel_loop3A_170 = arith.index_cast %parallel_loop3A_143 : i32 to index
          %parallel_loop3A_171 = arith.index_cast %parallel_loop3A_169 : i32 to index
          %parallel_loop3A_172 = tpu.vector_load %arg17[%parallel_loop3A_170, %parallel_loop3A_171] {strides = array<i32>} : memref<8x1024xf32, #tpu.memory_space<vmem>>, vector<16xf32>,
          %parallel_loop3A_173 = arith.mulf %parallel_loop3A_172, %parallel_loop3A_163 : vector<16xf32>
          %parallel_loop3A_174 = arith.constant 16 : i32
          %parallel_loop3A_175 = arith.muli %parallel_loop3A_167, %parallel_loop3A_174 : i32
          %parallel_loop3A_176 = arith.index_cast %parallel_loop3A_143 : i32 to index
          %parallel_loop3A_177 = arith.index_cast %parallel_loop3A_175 : i32 to index
          %parallel_loop3A_178 = tpu.vector_load %arg17[%parallel_loop3A_176, %parallel_loop3A_177] {strides = array<i32>} : memref<8x1024xf32, #tpu.memory_space<vmem>>, vector<16xf32>,
          tpu.vector_store %arg17[%parallel_loop3A_176, %parallel_loop3A_177], %parallel_loop3A_173 {strides = array<i32>} : memref<8x1024xf32, #tpu.memory_space<vmem>>, vector<16xf32>,
        } {sc.loop_unroll_factor = 8 : i64, sc.parallel_access}
      } {sc.loop_unroll_factor = 1 : i64, sc.parallel_access}
      %mul3A_112 = arith.constant 1024 : i32
      %mul3A_113 = arith.muli %select_n3A, %mul3A_112 : i32
      %add3A_114 = arith.addi %mul3A_113, %add3A_94 : i32
      %dma_start3A_115 = arith.constant 0 : i32
      %dma_start3A_116 = tpu.memref_slice %arg6[%add3A_114, %dma_start3A_115] : memref<4096x1024xf32, #tpu.memory_space<hbm>> -> memref<8x1024xf32, #tpu.memory_space<hbm>>
      %dma_start3A_117 = arith.constant 0 : i32
      %dma_start3A_118 = tpu.memref_slice %arg6[%add3A_114, %dma_start3A_117] : memref<4096x1024xf32, #tpu.memory_space<hbm>> -> memref<8x1024xf32, #tpu.memory_space<hbm>>
      tpu.enqueue_dma source(%arg17 : memref<8x1024xf32, #tpu.memory_space<vmem>>) target(%dma_start3A_118 : memref<8x1024xf32, #tpu.memory_space<hbm>>) target_semaphore(%arg23 : memref<!tpu.dma_semaphore, #tpu.memory_space<semaphore_mem>>)
      %lt3A_119 = arith.constant 7 : i32
      %lt3A_120 = arith.cmpi slt, %scan3A_89, %lt3A_119 : i32
      %convert_element_type3A_121 = arith.extui %lt3A_120 : i1 to i32
      %cond3A_122 = arith.constant 0 : i32
      %cond3A_123 = arith.cmpi ne, %convert_element_type3A_121, %cond3A_122 : i32
      scf.if %cond3A_123 {
        %add3A_143 = arith.constant 16 : i32
        %add3A_144 = arith.addi %add3A_94, %add3A_143 : i32
        %dma_start3A_145 = tpu.memref_slice %arg12[%add3A_144] : memref<1024xi32, #tpu.memory_space<vmem>> -> memref<8xi32, #tpu.memory_space<vmem>>
        %dma_start3A_146 = arith.constant 0 : i32
        %dma_start3A_147 = arith.constant 0 : i32
        %dma_start3A_148 = tpu.memref_slice %arg4[%dma_start3A_146, %dma_start3A_147] : memref<8192x2048xf32, #tpu.memory_space<hbm>> -> memref<8192x2048xf32, #tpu.memory_space<hbm>>
        tpu.enqueue_indirect_dma source(%dma_start3A_148 : memref<8192x2048xf32, #tpu.memory_space<hbm>>) target(%arg15 : memref<8x2048xf32, #tpu.memory_space<vmem>>) offsets(%dma_start3A_145 : memref<8xi32, #tpu.memory_space<vmem>>) semaphore(%arg21 : memref<!tpu.dma_semaphore, #tpu.memory_space<semaphore_mem>>)
      } else {
      }
      %dma_wait3A_124 = tpu.memref_slice %arg12[%add3A_96] : memref<1024xi32, #tpu.memory_space<vmem>> -> memref<8xi32, #tpu.memory_space<vmem>>
      %dma_wait3A_125 = arith.constant 0 : i32
      %dma_wait3A_126 = arith.constant 0 : i32
      %dma_wait3A_127 = tpu.memref_slice %arg4[%dma_wait3A_125, %dma_wait3A_126] : memref<8192x2048xf32, #tpu.memory_space<hbm>> -> memref<8192x2048xf32, #tpu.memory_space<hbm>>
      tpu.wait_indirect_dma semaphore(%arg22 : memref<!tpu.dma_semaphore, #tpu.memory_space<semaphore_mem>>) src(%dma_wait3A_127 : memref<8192x2048xf32, #tpu.memory_space<hbm>>) dst(%arg16 : memref<8x2048xf32, #tpu.memory_space<vmem>>)
      %gt3A_128 = arith.constant 0 : i32
      %gt3A_129 = arith.cmpi sgt, %scan3A_89, %gt3A_128 : i32
      %convert_element_type3A_130 = arith.extui %gt3A_129 : i1 to i32
      %cond3A_131 = arith.constant 0 : i32
      %cond3A_132 = arith.cmpi ne, %convert_element_type3A_130, %cond3A_131 : i32
      scf.if %cond3A_132 {
        %mul3A_143 = arith.constant 1024 : i32
        %mul3A_144 = arith.muli %select_n3A, %mul3A_143 : i32
        %add3A_145 = arith.addi %mul3A_144, %add3A_96 : i32
        %dma_wait3A_146 = arith.constant 0 : i32
        %dma_wait3A_147 = tpu.memref_slice %arg6[%add3A_145, %dma_wait3A_146] : memref<4096x1024xf32, #tpu.memory_space<hbm>> -> memref<8x1024xf32, #tpu.memory_space<hbm>>
        %dma_wait3A_148 = arith.constant 0 : i32
        %dma_wait3A_149 = tpu.memref_slice %arg6[%add3A_145, %dma_wait3A_148] : memref<4096x1024xf32, #tpu.memory_space<hbm>> -> memref<8x1024xf32, #tpu.memory_space<hbm>>
        tpu.wait_dma2 semaphore(%arg24 : memref<!tpu.dma_semaphore, #tpu.memory_space<semaphore_mem>>) src(%arg18 : memref<8x1024xf32, #tpu.memory_space<vmem>>) dst(%dma_wait3A_149 : memref<8x1024xf32, #tpu.memory_space<hbm>>)
      } else {
      }
      %parallel_loop3A_133 = arith.constant 0 : i32
      %parallel_loop3A_134 = arith.constant 8 : i32
      %parallel_loop3A_135 = arith.constant 1 : i32
      scf.for %parallel_loop3A_143 = %parallel_loop3A_133 to %parallel_loop3A_134 step %parallel_loop3A_135  : i32 {
        %parallel_loop3A_144 = arith.constant 7 : i32
        %parallel_loop3A_145 = arith.andi %parallel_loop3A_143, %parallel_loop3A_144 : i32
        %parallel_loop3A_146 = vector.broadcast %parallel_loop3A_145 : i32 to vector<16xi32>
        %parallel_loop3A_147 = arith.constant 0.000000e+00 : f32
        %parallel_loop3A_148 = vector.broadcast %parallel_loop3A_147 : f32 to vector<16xf32>
        %parallel_loop3A_149 = arith.constant 0 : i32
        %parallel_loop3A_150 = arith.constant 64 : i32
        %parallel_loop3A_151 = arith.constant 1 : i32
        %parallel_loop3A_152 = scf.for %parallel_loop3A_167 = %parallel_loop3A_149 to %parallel_loop3A_150 step %parallel_loop3A_151 iter_args(%parallel_loop3A_168 = %parallel_loop3A_148) -> (vector<16xf32>)  : i32 {
          %parallel_loop3A_169 = arith.constant 16 : i32
          %parallel_loop3A_170 = arith.muli %parallel_loop3A_167, %parallel_loop3A_169 : i32
          %parallel_loop3A_171 = arith.index_cast %parallel_loop3A_170 : i32 to index
          %parallel_loop3A_172 = tpu.vector_load %arg11[%parallel_loop3A_171] {strides = array<i32>} : memref<1024xi32, #tpu.memory_space<vmem>>, vector<16xi32>,
          %parallel_loop3A_173 = tpu.vector_load_idx %arg16[%parallel_loop3A_146, %parallel_loop3A_172] : memref<8x2048xf32, #tpu.memory_space<vmem>>[vector<16xi32>, vector<16xi32>], vector<16xf32>,
          %parallel_loop3A_174 = arith.constant 16 : i32
          %parallel_loop3A_175 = arith.muli %parallel_loop3A_167, %parallel_loop3A_174 : i32
          %parallel_loop3A_176 = arith.index_cast %parallel_loop3A_143 : i32 to index
          %parallel_loop3A_177 = arith.index_cast %parallel_loop3A_175 : i32 to index
          %parallel_loop3A_178 = tpu.vector_load %arg18[%parallel_loop3A_176, %parallel_loop3A_177] {strides = array<i32>} : memref<8x1024xf32, #tpu.memory_space<vmem>>, vector<16xf32>,
          tpu.vector_store %arg18[%parallel_loop3A_176, %parallel_loop3A_177], %parallel_loop3A_173 {strides = array<i32>} : memref<8x1024xf32, #tpu.memory_space<vmem>>, vector<16xf32>,
          %parallel_loop3A_179 = arith.addf %parallel_loop3A_168, %parallel_loop3A_173 : vector<16xf32>
          scf.yield %parallel_loop3A_179 : vector<16xf32>
        } {sc.loop_unroll_factor = 8 : i64, sc.parallel_access}
        %parallel_loop3A_153 = arith.constant true
        %parallel_loop3A_154 = vector.broadcast %parallel_loop3A_153 : i1 to vector<16xi1>
        %parallel_loop3A_155 = tpu.scan <sum>, %parallel_loop3A_152 masked %parallel_loop3A_154 : vector<16xf32>, vector<16xi1> -> vector<16xf32>
        %parallel_loop3A_156 = vector.extract %parallel_loop3A_155[15] : f32 from vector<16xf32>
        %parallel_loop3A_157 = vector.broadcast %parallel_loop3A_156 : f32 to vector<16xf32>
        %parallel_loop3A_158 = arith.constant 1.000000e-10 : f32
        %parallel_loop3A_159 = vector.broadcast %parallel_loop3A_158 : f32 to vector<16xf32>
        %parallel_loop3A_160 = arith.addf %parallel_loop3A_157, %parallel_loop3A_159 : vector<16xf32>
        %parallel_loop3A_161 = arith.constant 1.000000e+00 : f32
        %parallel_loop3A_162 = vector.broadcast %parallel_loop3A_161 : f32 to vector<16xf32>
        %parallel_loop3A_163 = arith.divf %parallel_loop3A_162, %parallel_loop3A_160 : vector<16xf32>
        %parallel_loop3A_164 = arith.constant 0 : i32
        %parallel_loop3A_165 = arith.constant 64 : i32
        %parallel_loop3A_166 = arith.constant 1 : i32
        scf.for %parallel_loop3A_167 = %parallel_loop3A_164 to %parallel_loop3A_165 step %parallel_loop3A_166  : i32 {
          %parallel_loop3A_168 = arith.constant 16 : i32
          %parallel_loop3A_169 = arith.muli %parallel_loop3A_167, %parallel_loop3A_168 : i32
          %parallel_loop3A_170 = arith.index_cast %parallel_loop3A_143 : i32 to index
          %parallel_loop3A_171 = arith.index_cast %parallel_loop3A_169 : i32 to index
          %parallel_loop3A_172 = tpu.vector_load %arg18[%parallel_loop3A_170, %parallel_loop3A_171] {strides = array<i32>} : memref<8x1024xf32, #tpu.memory_space<vmem>>, vector<16xf32>,
          %parallel_loop3A_173 = arith.mulf %parallel_loop3A_172, %parallel_loop3A_163 : vector<16xf32>
          %parallel_loop3A_174 = arith.constant 16 : i32
          %parallel_loop3A_175 = arith.muli %parallel_loop3A_167, %parallel_loop3A_174 : i32
          %parallel_loop3A_176 = arith.index_cast %parallel_loop3A_143 : i32 to index
          %parallel_loop3A_177 = arith.index_cast %parallel_loop3A_175 : i32 to index
          %parallel_loop3A_178 = tpu.vector_load %arg18[%parallel_loop3A_176, %parallel_loop3A_177] {strides = array<i32>} : memref<8x1024xf32, #tpu.memory_space<vmem>>, vector<16xf32>,
          tpu.vector_store %arg18[%parallel_loop3A_176, %parallel_loop3A_177], %parallel_loop3A_173 {strides = array<i32>} : memref<8x1024xf32, #tpu.memory_space<vmem>>, vector<16xf32>,
        } {sc.loop_unroll_factor = 8 : i64, sc.parallel_access}
      } {sc.loop_unroll_factor = 1 : i64, sc.parallel_access}
      %mul3A_136 = arith.constant 1024 : i32
      %mul3A_137 = arith.muli %select_n3A, %mul3A_136 : i32
      %add3A_138 = arith.addi %mul3A_137, %add3A_96 : i32
      %dma_start3A_139 = arith.constant 0 : i32
      %dma_start3A_140 = tpu.memref_slice %arg6[%add3A_138, %dma_start3A_139] : memref<4096x1024xf32, #tpu.memory_space<hbm>> -> memref<8x1024xf32, #tpu.memory_space<hbm>>
      %dma_start3A_141 = arith.constant 0 : i32
      %dma_start3A_142 = tpu.memref_slice %arg6[%add3A_138, %dma_start3A_141] : memref<4096x1024xf32, #tpu.memory_space<hbm>> -> memref<8x1024xf32, #tpu.memory_space<hbm>>
      tpu.enqueue_dma source(%arg18 : memref<8x1024xf32, #tpu.memory_space<vmem>>) target(%dma_start3A_142 : memref<8x1024xf32, #tpu.memory_space<hbm>>) target_semaphore(%arg24 : memref<!tpu.dma_semaphore, #tpu.memory_space<semaphore_mem>>)
    }
    %scan3A_66 = arith.constant 8 : i32
    %add3A_67 = arith.constant 112 : i32
    %add3A_68 = arith.addi %mul3A_32, %add3A_67 : i32
    %add3A_69 = arith.constant 120 : i32
    %add3A_70 = arith.addi %mul3A_32, %add3A_69 : i32
    %mul3A_71 = arith.constant 1024 : i32
    %mul3A_72 = arith.muli %select_n3A, %mul3A_71 : i32
    %add3A_73 = arith.addi %mul3A_72, %add3A_68 : i32
    %dma_wait3A_74 = arith.constant 0 : i32
    %dma_wait3A_75 = tpu.memref_slice %arg6[%add3A_73, %dma_wait3A_74] : memref<4096x1024xf32, #tpu.memory_space<hbm>> -> memref<8x1024xf32, #tpu.memory_space<hbm>>
    %dma_wait3A_76 = arith.constant 0 : i32
    %dma_wait3A_77 = tpu.memref_slice %arg6[%add3A_73, %dma_wait3A_76] : memref<4096x1024xf32, #tpu.memory_space<hbm>> -> memref<8x1024xf32, #tpu.memory_space<hbm>>
    tpu.wait_dma2 semaphore(%arg23 : memref<!tpu.dma_semaphore, #tpu.memory_space<semaphore_mem>>) src(%arg17 : memref<8x1024xf32, #tpu.memory_space<vmem>>) dst(%dma_wait3A_77 : memref<8x1024xf32, #tpu.memory_space<hbm>>)
    %mul3A_78 = arith.constant 1024 : i32
    %mul3A_79 = arith.muli %select_n3A, %mul3A_78 : i32
    %add3A_80 = arith.addi %mul3A_79, %add3A_70 : i32
    %dma_wait3A_81 = arith.constant 0 : i32
    %dma_wait3A_82 = tpu.memref_slice %arg6[%add3A_80, %dma_wait3A_81] : memref<4096x1024xf32, #tpu.memory_space<hbm>> -> memref<8x1024xf32, #tpu.memory_space<hbm>>
    %dma_wait3A_83 = arith.constant 0 : i32
    %dma_wait3A_84 = tpu.memref_slice %arg6[%add3A_80, %dma_wait3A_83] : memref<4096x1024xf32, #tpu.memory_space<hbm>> -> memref<8x1024xf32, #tpu.memory_space<hbm>>
    tpu.wait_dma2 semaphore(%arg24 : memref<!tpu.dma_semaphore, #tpu.memory_space<semaphore_mem>>) src(%arg18 : memref<8x1024xf32, #tpu.memory_space<vmem>>) dst(%dma_wait3A_84 : memref<8x1024xf32, #tpu.memory_space<hbm>>)
    %dma_wait3A_85 = arith.constant 0 : i32
    %dma_wait3A_86 = tpu.memref_slice %arg7[%add3A_57, %dma_wait3A_85] : memref<4096x128xf32, #tpu.memory_space<hbm>> -> memref<128x128xf32, #tpu.memory_space<hbm>>
    %dma_wait3A_87 = arith.constant 0 : i32
    %dma_wait3A_88 = tpu.memref_slice %arg7[%add3A_57, %dma_wait3A_87] : memref<4096x128xf32, #tpu.memory_space<hbm>> -> memref<128x128xf32, #tpu.memory_space<hbm>>
    tpu.wait_dma2 semaphore(%arg20 : memref<!tpu.dma_semaphore, #tpu.memory_space<semaphore_mem>>) src(%arg14 : memref<128x128xf32, #tpu.memory_space<vmem>>) dst(%dma_wait3A_88 : memref<128x128xf32, #tpu.memory_space<hbm>>)
    return
  }
}

</mosaic_0001>

<sc_bundles>
// kernel: _sc_pool.3.cloned.1.call-start
scs
__scs_entry_jumppad:
0x0: {  	(pc) =	sbr.rel $0x88, $3  }
0x1: {  	(tag) =	ssettag $0x0;
	lr =	simm.s32 $0x1  }
0x2: {  	[smem:$0x3F9D] =	sst lr;
	_ =	strace $0xD0000000  }
0x3: {  	_ = 	snop  }
0x4: {  	_ = 	snop  }
0x5: {  	_ = 	snop  }
0x6: {  	_ = 	snop  }
0x7: {  	_ = 	snop  }
__scs_overlays_trampoline_lowered:
0x8: {  	[smem:$0x3FAC] =	sst s0  }
0x9: {  	[smem:$0x3FAD] =	sst s1  }
0xa: {  	[smem:$0x3FAE] =	sst s2  }
0xb: {  	[smem:$0x3FAF] =	sst s3  }
0xc: {  	[smem:$0x3FB0] =	sst s4  }
0xd: {  	[smem:$0x3FB1] =	sst s5  }
0xe: {  	[smem:$0x3FB2] =	sst s6  }
0xf: {  	[smem:$0x3FB3] =	sst s7  }
0x10: {  	[smem:$0x3FB4] =	sst s8  }
0x11: {  	[smem:$0x3FB5] =	sst s9;
	s0 =	simm.s32 @!p0 $0x0  }
0x12: {  	s1 =	sld [smem:$0x3F9B];
	s0 =	simm.s32 @p0 $0x1  }
0x13: {  	[smem:$0x3FB6] =	sst s0;
	s0 =	simm.s32 @!p1 $0x0  }
0x14: {  	s2 =	sld [smem:$0x3F9A];
	s0 =	simm.s32 @p1 $0x1  }
0x15: {  	[smem:$0x3FB7] =	sst s0;
	s0 =	simm.s32 @!p2 $0x0  }
0x16: {  	s3 =	sld [smem:$0x3FDB];
	s0 =	simm.s32 @p2 $0x1  }
0x17: {  	s4 =	simm.s32 $0x1BF5;
	[smem:$0x3FB9] =	sst s0  }
0x18: {  	s0 =	sld [smem:$0x3F9C];
	_ =	swait.ge [sflag:s4], $0x0  }
0x19: {  	s7 =	sld [smem:$0x3F9D]  }
0x1a: {  	s8 =	sadd.s32 $0xFFFFE003, lr  }
0x1b: {  	s9 =	sadd.s32 $0xFFFFFEF7, lr;
	s5 =	simm.s32 $0xFFFFFFFF;
	p2 =	slt.u32 s8, $0xFFFFF086  }
0x1c: {  	p1 =	slt.u32 s9, $0xF7A;
	s5 =	simm.s32 @!p2 $0x0  }
0x1d: {  	s5 =	simm.s32 @p1 $0x1;
	p0 =	seq.s32 s7, s2  }
0x1e: {  	s7 =	smul.u32 @!p0 $0xF7A, s2;
	p2 =	seq.s32 @!p0 s5, $0x0  }
0x1f: {  	s9 =	smul.u32 $0xF7A, s1;
	s8 =	simm.s32 @!p0 $0x1BF5;
	p2 =	por !p2, p0  }
0x20: {  	[sflag:s8] =	ssyncset.s32 @!p0 $0xFFFFF086;
	s6 =	sadd.s32 @!p0 s3, s7;
	s7 =	simm.s32 @!p0 $0x108  }
0x21: {  	s3 =	sadd.s32 s3, s9;
	s6 =	sadd.s32 @!p0 $0x88, s6;
	s7 =	simm.s32 @p2 $0x1082  }
0x22: {  	[simem:s7], [sflag:s8] =	dma.local @!p0 [hbm:s6], $0xF7A  }
0x23: {  	s9 =	sor.u32 $0xD0000000, s2;
	s6 =	simm.s32 $0x108;
	_ =	swait.ge @!p0 [sflag:s8], $0x0  }
0x24: {  	s3 =	sadd.s32 $0x88, s3;
	s6 =	simm.s32 @!p1 $0x1082;
	[sflag:s4] =	ssyncset.s32 $0xFFFFF086  }
0x25: {  	[simem:s6], [sflag:s4] =	dma.local [hbm:s3], $0xF7A  }
0x26: {  	[smem:$0x3F9D] =	sst s1;
	(tag) =	ssettag s2;
	_ =	strace s9  }
0x27: {  	s1 =	sld [smem:$0x3FAD]  }
0x28: {  	s2 =	sld [smem:$0x3FAE]  }
0x29: {  	s4 =	sld [smem:$0x3FB0]  }
0x2a: {  	p0 =	seq.s32 s5, $0x0;
	s5 =	sld [smem:$0x3FB1]  }
0x2b: {  	s6 =	sld [smem:$0x3FB2]  }
0x2c: {  	s7 =	sld [smem:$0x3FB3]  }
0x2d: {  	s3 =	simm.s32 $0x108;
	s8 =	sld [smem:$0x3FB4]  }
0x2e: {  	s3 =	simm.s32 @!p0 $0x1082;
	s9 =	sld [smem:$0x3FB5]  }
0x2f: {  	lr =	sadd.s32 s0, s3;
	s0 =	sld [smem:$0x3FAC]  }
0x30: {  	s3 =	sld [smem:$0x3FAF]  }
0x31: {  	[smem:$0x3FB8] =	sst s10  }
0x32: {  	s10 =	sld [smem:$0x3FB6];
	_ =	sdelay $0x3  }
0x33: {  	p0 =	seq.s32 s10, $0x1;
	s10 =	sld [smem:$0x3FB8];
	_ =	sdelay $0x3  }
0x34: {  	[smem:$0x3FB8] =	sst s10  }
0x35: {  	s10 =	sld [smem:$0x3FB7];
	_ =	sdelay $0x3  }
0x36: {  	p1 =	seq.s32 s10, $0x1;
	s10 =	sld [smem:$0x3FB8];
	_ =	sdelay $0x3  }
0x37: {  	[smem:$0x3FB8] =	sst s10  }
0x38: {  	s10 =	sld [smem:$0x3FB9]  }
0x39: {  	_ = 	snop;
	(pc) =	sbr.ind lr, $3  }
0x3a: {  	_ = 	snop  }
0x3b: {  	_ = 	snop  }
0x3c: {  	p2 =	seq.s32 s10, $0x1;
	s10 =	sld [smem:$0x3FB8]  }
0x3d: {  	_ =	shalt  }
0x3e: {  	_ =	shalt  }
0x3f: {  	_ =	shalt  }
0x40: {  	_ =	shalt  }
0x41: {  	_ =	shalt  }
0x42: {  	_ =	shalt  }
0x43: {  	_ =	shalt  }
0x44: {  	_ =	shalt  }
0x45: {  	_ =	shalt  }
0x46: {  	_ =	shalt  }
0x47: {  	_ =	shalt  }
0x48: {  	_ =	shalt  }
0x49: {  	_ =	shalt  }
0x4a: {  	_ =	shalt  }
0x4b: {  	_ =	shalt  }
0x4c: {  	_ =	shalt  }
0x4d: {  	_ =	shalt  }
0x4e: {  	_ =	shalt  }
0x4f: {  	_ =	shalt  }
0x50: {  	_ =	shalt  }
0x51: {  	_ =	shalt  }
0x52: {  	_ =	shalt  }
0x53: {  	_ =	shalt  }
0x54: {  	_ =	shalt  }
0x55: {  	_ =	shalt  }
0x56: {  	_ =	shalt  }
0x57: {  	_ =	shalt  }
0x58: {  	_ =	shalt  }
0x59: {  	_ =	shalt  }
0x5a: {  	_ =	shalt  }
0x5b: {  	_ =	shalt  }
0x5c: {  	_ =	shalt  }
0x5d: {  	_ =	shalt  }
0x5e: {  	_ =	shalt  }
0x5f: {  	_ =	shalt  }
0x60: {  	_ =	shalt  }
0x61: {  	_ =	shalt  }
0x62: {  	_ =	shalt  }
0x63: {  	_ =	shalt  }
0x64: {  	_ =	shalt  }
0x65: {  	_ =	shalt  }
0x66: {  	_ =	shalt  }
0x67: {  	_ =	shalt  }
0x68: {  	_ =	shalt  }
0x69: {  	_ =	shalt  }
0x6a: {  	_ =	shalt  }
0x6b: {  	_ =	shalt  }
0x6c: {  	_ =	shalt  }
0x6d: {  	_ =	shalt  }
0x6e: {  	_ =	shalt  }
0x6f: {  	_ =	shalt  }
0x70: {  	_ =	shalt  }
0x71: {  	_ =	shalt  }
0x72: {  	_ =	shalt  }
0x73: {  	_ =	shalt  }
0x74: {  	_ =	shalt  }
0x75: {  	_ =	shalt  }
0x76: {  	_ =	shalt  }
0x77: {  	_ =	shalt  }
0x78: {  	_ =	shalt  }
0x79: {  	_ =	shalt  }
0x7a: {  	_ =	shalt  }
0x7b: {  	_ =	shalt  }
0x7c: {  	_ =	shalt  }
0x7d: {  	_ =	shalt  }
0x7e: {  	_ =	shalt  }
0x7f: {  	_ =	shalt  }
0x80: {  	_ =	shalt  }
0x81: {  	_ =	shalt  }
0x82: {  	_ =	shalt  }
0x83: {  	_ =	shalt  }
0x84: {  	_ =	shalt  }
0x85: {  	_ =	shalt  }
0x86: {  	_ =	shalt  }
0x87: {  	_ =	shalt  }
.Lfunc_end0:
.L_simem_size_0:
called_computation_lowered:
.L_overlay_start_0:
0x88: {  	s2 =	sld [smem:$0x3FD9]  }
0x89: {  	s3 =	sld [smem:$0x3FFE];
	_ =	sdelay $0x1  }
0x8a: {  	s1 =	srdreg.scid  }
0x8b: {  	s0 =	sand.u32 $0x1, s1  }
0x8c: {  	s15 =	sshll.u32 s0, $0xA;
	s2 =	sadd.s32 s3, s2  }
0x8d: {  	s2 =	sadd.s32 s2, s15  }
0x8e: {  	[smem:$0x3FC4] =	sst s2  }
0x8f: {  	_ = 	snop  }
0x90: {  	s2 =	sld [smem:$0x3FC9]  }
0x91: {  	s16 =	sld [smem:$0x3FD0]  }
0x92: {  	s4 =	sld [smem:$0x3FC8]  }
0x93: {  	s5 =	sld [smem:$0x3FC7]  }
0x94: {  	s7 =	simm.s32 $0xA;
	s8 =	simm.s32 $0x10;
	s6 =	sld [smem:$0x3FC6]  }
0x95: {  	[smem:s8], [sflag:s7] =	dma.local [hbm:s16], $0x1  }
0x96: {  	_ =	swait.eq [sflag:s7], $0x1  }
0x97: {  	s17 =	sld [smem:$0x10];
	[sflag:s7] =	ssyncset.done $0x0  }
0x98: {  	s18 =	sld [smem:$0x11];
	[sflag:s7] =	ssyncadd.s32 $0xFFFFFFFF  }
0x99: {  	s19 =	sld [smem:$0x12];
	(tm) =	ssettm $0x1  }
0x9a: {  	s9 =	sld [smem:$0x3FFB];
	_ =	sdelay $0x3  }
0x9b: {  	_ =	strace s9  }
0x9c: {  	s9 =	sld [smem:$0x3FFC];
	_ =	sdelay $0x3  }
0x9d: {  	_ =	strace s9  }
0x9e: {  	s9 =	sld [smem:$0x3FFD];
	_ =	sdelay $0x3  }
0x9f: {  	_ =	strace s9  }
0xa0: {  	_ =	strace $0x8FFFFFFF  }
0xa1: {  	s20 =	sld [smem:$0x3FDB];
	_ =	sdelay $0x1  }
0xa2: {  	s10 =	simm.s32 $_scs_section_size  }
0xa3: {  	s11 =	simm.s32 $_size__tile_overlayer_lowered;
	s12 =	simm.s32 $_tile_overlayer_lowered  }
0xa4: {  	s23 =	simm.s32 $0x1BFF;
	s22 =	sshll.u32 s12, $0x1;
	s9 =	sadd.s32 s10, s20  }
0xa5: {  	s13 =	simm.s32 $0x0;
	s21 =	sshll.u32 s11, $0x1;
	s11 =	sadd.s32 s22, s9  }
0xa6: {  	[timem:s13], [sflag:s23] =	dma.local [hbm:s11], s21  }
0xa7: {  	_ =	swait.ge [sflag:s23], s21  }
0xa8: {  	s10 =	ssub.s32 $0x0, s21;
	[sflag:s23] =	ssyncset.done $0x0  }
0xa9: {  	[sflag:s23] =	ssyncadd.s32 s10;
	_ =	sdelay $0x1  }
0xaa: {  	s24 =	simm.s32 $0x1B8B  }
0xab: {  	_ =	swait.ge [sflag:s24], $0x1  }
0xac: {  	[sflag:s24] =	ssyncset.done $0x0  }
0xad: {  	s25 =	simm.s32 $0x1B8E;
	[sflag:s24] =	ssyncadd.s32 $0xFFFFFFFF  }
0xae: {  	s26 =	simm.s32 $execute0_lowered;
	[smem:$0x3FD2] =	sst s25  }
0xaf: {  	s10 =	sshll.u32 s26, $0x1;
	_ =	strace $0x80000046;
	[dreg:$0x1] =	wrdreg $0xFFFFFFFF  }
0xb0: {  	s28 =	simm.s32 $_size_execute0_lowered;
	s9 =	sadd.s32 s9, s10;
	[dreg:$0x0] =	wrdreg $0x0  }
0xb1: {  	s10 =	sshll.u32 s28, $0x1;
	[dreg:$0x2] =	wrdreg s9  }
0xb2: {  	[dreg:$0x3] =	wrdreg s10  }
0xb3: {  	[dreg:$0x4] =	wrdreg $0xC0  }
0xb4: {  	_ =	task [dreg:s13], $0x5FFFF  }
0xb5: {  	[dreg:$0x1] =	wrdreg $0xFFFFFFFF  }
0xb6: {  	[dreg:$0x0] =	wrdreg $0x60  }
0xb7: {  	[dreg:$0x2] =	wrdreg s2  }
0xb8: {  	[dreg:$0x3] =	wrdreg s4  }
0xb9: {  	[dreg:$0x4] =	wrdreg s5  }
0xba: {  	[dreg:$0x5] =	wrdreg s6  }
0xbb: {  	[dreg:$0x6] =	wrdreg s17  }
0xbc: {  	[dreg:$0x7] =	wrdreg s18  }
0xbd: {  	[dreg:$0x8] =	wrdreg s19  }
0xbe: {  	[dreg:$0x9] =	wrdreg $0x9  }
0xbf: {  	_ =	task.clear_ibuf [dreg:s13], $0xAFFFF;
	_ =	strace $0x90000046  }
0xc0: {  	s29 =	simm.s32 $0x9;
	_ =	strace $0x80000048  }
0xc1: {  	_ =	swait.ge [sflag:s29], $0x1  }
0xc2: {  	[sflag:s29] =	ssyncadd.s32 $0xFFFFFFFF  }
0xc3: {  	_ =	strace $0x90000048  }
0xc4: {  	_ =	sfence  }
0xc5: {  	s30 =	sld [smem:$0x0];
	_ =	sdelay $0x2  }
0xc6: {  	s31 =	sshll.u32 s1, $0xD;
	s1 =	sshrl.u32 s1, $0x2  }
0xc7: {  	s3 =	sand.u32 $0x4000, s31;
	s1 =	sadd.s32 s1, s30  }
0xc8: {  	s0 =	sor.u32 s3, s0;
	s1 =	sshll.u32 s1, $0x11  }
0xc9: {  	s0 =	sor.u32 s1, s0  }
0xca: {  	s0 =	sadd.s32 $0x8F2B, s0  }
0xcb: {  	[sflag:s0] =	ssyncadd.remote.s32 $0x1  }
0xcc: {  	_ =	sfence.sel $0xFFFF  }
0xcd: {  	[dreg:$0x0] =	wrdreg $0xFFFFFFFF;
	(pc) =	sbr.abs _section_cstart, $3  }
0xce: {  	[dreg:$0x1] =	wrdreg $0xFFFFFFFF  }
0xcf: {  	_ =	task.clear_ibuf [dreg:s13], $0x2FFFF;
	_ =	strace $0x9FFFFFFF  }
0xd0: {  	(tm) =	ssettm $0x7FFFFFFF  }
0xd1: {  	_ =	shalt  }
tec
execute0_lowered:
.L_overlay_start_1:
0x0: {  	(tag) =	ssettag $0x1  }
0x1: {  	s0 =	rddreg [dreg:$0x0]  }
0x2: {  	s2 =	rddreg [dreg:$0x1]  }
0x3: {  	s1 =	rddreg [dreg:$0x2]  }
0x4: {  	s3 =	rddreg [dreg:$0x4]  }
0x5: {  	s4 =	rddreg [dreg:$0x5]  }
0x6: {  	s7 =	rddreg [dreg:$0x6];
	s5 =	simm.s32 $0x0;
	s6 =	srdreg.scid  }
0x7: {  	s21 =	stileid.u32;
	s29 =	simm.s32 $0x5C00;
	s31 =	simm.s32 $0x3  }
0x8: {  	[smem:$0x7FF] =	sst s5;
	s8 =	sand.u32 $0x1, s6;
	s17 =	sshll.u32 s21, $0x1  }
0x9: {  	s13 =	sshrl.u32 s21, $0x2;
	s11 =	sadd.s32 $0x100, s1;
	s12 =	sadd.s32 $0x200, s1  }
0xa: {  	s14 =	sadd.s32 $0x300, s1;
	s15 =	sadd.s32 $0x400, s1;
	s16 =	sadd.s32 $0x500, s1  }
0xb: {  	s26 =	sand.u32 $0x3, s21;
	_ =	strace $0x80000047;
	s9 =	ssub.s32 $0x2, s8  }
0xc: {  	s6 =	sand.u32 $0x6, s17;
	s18 =	sshll.u32 s13, $0x8;
	s20 =	sshll.u32 s13, $0xB  }
0xd: {  	s22 =	sshll.u32 s13, $0x7;
	s13 =	sshll.u32 s13, $0xA;
	s17 =	sadd.s32 $0x600, s1  }
0xe: {  	s30 =	sshll.u32 s8, $0x7;
	s10 =	sshrl.u32 s9, $0x1;
	s19 =	sor.u32 s8, s6  }
0xf: {  	s2 =	sadd.s32 s2, s18;
	s0 =	sadd.s32 s0, s18;
	s23 =	sadd.s32 s7, s22  }
0x10: {  	s18 =	sadd.s32 $0x700, s1;
	s22 =	simm.s32 $0x1C00;
	[dreg:$0x8] =	wrdreg s2  }
0x11: {  	s9 =	ssub.s32 s9, s10;
	s6 =	sshll.u32 s19, $0x7;
	[dreg:$0x9] =	wrdreg s0  }
0x12: {  	[dreg:$0xa] =	wrdreg s23;
	s23 =	simm.s32 $0x1000;
	p0 =	sne.s32 s19, $0x0  }
0x13: {  	s2 =	simm.s32 $0x6;
	s10 =	simm.s32 $0x0;
	s24 =	sor.u32 $0x1400, s6  }
0x14: {  	s25 =	sor.u32 s13, s6;
	s28 =	smax.u32 s9, $0x1;
	[dreg:$0xb] =	wrdreg s24  }
0x15: {  	s9 =	simm.s32 $0x9C00;
	s0 =	sshll.u32 s25, $0x4;
	[dreg:$0xd] =	wrdreg s28  }
0x16: {  	v0 =	vlaneseq.u32;
	s24 =	simm.s32 $0x1400;
	s25 =	simm.s32 $0x1800;
	s0 =	sadd.s32 s4, s0  }
0x17: {  	vm0 =	vmmov $0xffff;
	v2 =	vand.u32 $0x7, v0;
	v3 =	vshrl.u32 v0, $0x3;
	s4 =	simm.s32 $0x4;
	[dreg:$0xc] =	wrdreg s0;
	s0 =	sshll.u32 s26, $0x8  }
0x18: {  	v3 =	vmul.u32 $0x8, v3;
	v1 =	vor.u32 s20, v0;
	v4 =	vmov s6;
	s26 =	simm.s32 $0xFC00;
	s21 =	sor.u32 s30, s0;
	s0 =	simm.s32 $0xDC00  }
.LBB2_1:
0x19: {  	[dreg:$0xe] =	wrdreg s10  }
0x1a: {  	s7 =	rddreg [dreg:$0x8];
	s28 =	simm.s32 $0x7  }
0x1b: {  	[tilespmem:s5], [sflag:$0x7] =	stream.linear.gather [hbm4b:s7+s5], $0x800, $0x38;
	[tilespmem:$0x11C00] =	vst v63  }
0x1c: {  	_ =	swait.ge [sflag:s28], $0x800  }
0x1d: {  	[sflag:s28] =	ssyncset.done $0x0  }
0x1e: {  	s8 =	simm.s32 $0x800;
	s30 =	rddreg [dreg:$0x9];
	[sflag:s28] =	ssyncadd.s32 $0xFFFFF800  }
0x1f: {  	[tilespmem:s8], [sflag:$0x7] =	stream.linear.gather [hbm4b:s30+s5], $0x800, $0x38;
	[tilespmem:$0x11C00] =	vst v63  }
0x20: {  	_ =	swait.ge [sflag:s28], $0x800  }
0x21: {  	[sflag:s28] =	ssyncset.done $0x0  }
0x22: {  	[sflag:s28] =	ssyncadd.s32 $0xFFFFF800  }
0x23: {  	v5 =	vld [tilespmem:s5+$0x0];
	_ =	sdelay $0x4  }
0x24: {  	vm1 =	vlt.s32 v5, $0x400;
	_ =	sdelay $0x1  }
0x25: {  	s7 =	simm.s32 $0x10;
	v7 =	vld [tilespmem:s8+$0x0]  }
0x26: {  	v6 =	vld [tilespmem:s7+$0x0];
	_ =	sdelay $0x1  }
0x27: {  	s19 =	simm.s32 $0x20;
	v8 =	vor.u32 s5, v0;
	s10 =	simm.s32 $0x0;
	s20 =	simm.s32 $0x10  }
.LBB2_2:
0x28: {  	p1 =	sne.s32 s19, $0x7F0;
	[tilespmem:v5+s23+$0x0] =	vst.idx.msk vm1, v8;
	v8 =	vor.u32 s10, v1;
	s10 =	smov.u32 s7;
	s7 =	smov.u32 s19  }
0x29: {  	[tilespmem:v5+s24+$0x0] =	vst.idx.msk vm1, v8  }
0x2a: {  	[tilespmem:v5+s25+$0x0] =	vst.idx.msk vm1, v7;
	vm1 =	vlt.s32 v6, $0x400;
	v5 =	vmov v6  }
.Ltmp0:
0x2b: {  	s8 =	sadd.s32 $0x10, s8;
	(pc) =	sbr.rel @p1 .LBB2_2-.Ltmp0, $3  }
0x2c: {  	s20 =	sadd.s32 $0x10, s20;
	v7 =	vld [tilespmem:s8+$0x0]  }
0x2d: {  	v6 =	vld [tilespmem:s20+$0x0];
	_ =	sdelay $0x1  }
0x2e: {  	s19 =	sadd.s32 $0x10, s19;
	v8 =	vor.u32 s10, v0  }
0x2f: {  	_ =	sdelay $0x1  }
0x30: {  	vm2 =	vlt.s32 v6, $0x400;
	_ =	sdelay $0x1  }
0x31: {  	s8 =	sadd.s32 $0x10, s8  }
0x32: {  	[tilespmem:v5+s23+$0x0] =	vst.idx.msk vm1, v8;
	v8 =	vor.u32 s10, v1;
	v9 =	vld [tilespmem:s8+$0x0]  }
0x33: {  	[tilespmem:v5+s24+$0x0] =	vst.idx.msk vm1, v8  }
0x34: {  	[tilespmem:v5+s25+$0x0] =	vst.idx.msk vm1, v7;
	v5 =	vor.u32 s7, v0  }
0x35: {  	[tilespmem:v6+s23+$0x0] =	vst.idx.msk vm2, v5;
	v5 =	vor.u32 s7, v1  }
0x36: {  	[tilespmem:v6+s24+$0x0] =	vst.idx.msk vm2, v5  }
0x37: {  	[tilespmem:v6+s25+$0x0] =	vst.idx.msk vm2, v9  }
0x38: {  	s8 =	simm.s32 @!p0 $0x1000;
	s7 =	simm.s32 @!p0 $0x0;
	s10 =	rddreg [dreg:$0xa]  }
0x39: {  	[hbm4b:s10+s7] =	stream.linear.scatter @!p0 [tilespmem:s8], [sflag:$0x7], $0x400, $0x38;
	[tilespmem:$0x11C00] =	vst v63  }
0x3a: {  	s7 =	simm.s32 @!p0 $0x7  }
0x3b: {  	_ =	swait.ge @!p0 [sflag:s7], $0x400  }
0x3c: {  	[sflag:s7] =	ssyncset.done @!p0 $0x0  }
0x3d: {  	s28 =	rddreg [dreg:$0xb];
	[sflag:s7] =	ssyncadd.s32 @!p0 $0xFFFFFC00  }
0x3e: {  	s30 =	simm.s32 $0x80;
	s7 =	rddreg [dreg:$0x3]  }
0x3f: {  	[tilespmem:s22], [sflag:$0x1] =	stream.indirect.gather [hbm4b:s7+s30], $0x80, s28, s30, $0xb8;
	[tilespmem:$0x11C00] =	vst v63  }
0x40: {  	v5 =	vld.msk [tilespmem:s28+$0x0], $0xff;
	_ =	sdelay $0x4  }
0x41: {  	v6 =	vshll.u32 v5, $0x4  }
0x42: {  	v5 =	vand.u32 $0x7, v5;
	v6 =	vand.u32 $0xFFFFFF80, v6  }
0x43: {  	v5 =	vor.u32 v5, v6  }
0x44: {  	v5 =	vperm.xlane v5, v2;
	_ =	sdelay $0x1  }
0x45: {  	v5 =	vadd.s32 v3, v5;
	_ =	sdelay $0x3  }
0x46: {  	s7 =	simm.s32 $0x0  }
0x47: {  	[tilespmem:s29], [sflag:$0x3] =	stream.indirect_vreg.gather [hbm4b:s1+s7], $0x80, v5, vm0, $0xb8;
	[tilespmem:$0x11C00] =	vst v63  }
0x48: {  	s10 =	simm.s32 $0x6400  }
0x49: {  	[tilespmem:s10], [sflag:$0x3] =	stream.indirect_vreg.gather [hbm4b:s11+s7], $0x80, v5, vm0, $0xb8;
	[tilespmem:$0x11C00] =	vst v63  }
0x4a: {  	s19 =	simm.s32 $0x6C00  }
0x4b: {  	[tilespmem:s19], [sflag:$0x3] =	stream.indirect_vreg.gather [hbm4b:s12+s7], $0x80, v5, vm0, $0xb8;
	[tilespmem:$0x11C00] =	vst v63  }
0x4c: {  	s20 =	simm.s32 $0x7400  }
0x4d: {  	[tilespmem:s20], [sflag:$0x3] =	stream.indirect_vreg.gather [hbm4b:s14+s7], $0x80, v5, vm0, $0xb8;
	[tilespmem:$0x11C00] =	vst v63  }
0x4e: {  	s28 =	simm.s32 $0x7C00  }
0x4f: {  	[tilespmem:s28], [sflag:$0x3] =	stream.indirect_vreg.gather [hbm4b:s15+s7], $0x80, v5, vm0, $0xb8;
	[tilespmem:$0x11C00] =	vst v63  }
0x50: {  	s30 =	simm.s32 $0x8400  }
0x51: {  	[tilespmem:s30], [sflag:$0x3] =	stream.indirect_vreg.gather [hbm4b:s16+s7], $0x80, v5, vm0, $0xb8;
	[tilespmem:$0x11C00] =	vst v63  }
0x52: {  	s10 =	simm.s32 $0x8C00;
	s19 =	sadd.s32 $0x0, s21  }
0x53: {  	[tilespmem:s10], [sflag:$0x3] =	stream.indirect_vreg.gather [hbm4b:s17+s7], $0x80, v5, vm0, $0xb8;
	[tilespmem:$0x11C00] =	vst v63  }
0x54: {  	v6 =	vmov s19;
	s20 =	simm.s32 $0x9400;
	s28 =	simm.s32 $0x1  }
0x55: {  	[tilespmem:s20], [sflag:$0x3] =	stream.indirect_vreg.gather [hbm4b:s18+s7], $0x80, v5, vm0, $0xb8;
	[tilespmem:$0x11C00] =	vst v63  }
0x56: {  	_ =	swait.ge [sflag:s28], $0x4000  }
0x57: {  	[sflag:s28] =	ssyncset.done $0x0  }
0x58: {  	[sflag:s28] =	ssyncadd.s32 $0xFFFFC000  }
0x59: {  	s8 =	simm.s32 $0x1C40;
	v6 =	vld.idx.msk [tilespmem:v6+s25+$0x0], $0xffff  }
0x5a: {  	v5 =	vld [tilespmem:s8+$0x30]  }
0x5b: {  	v7 =	vld [tilespmem:s8+$0xFFFFFFC0]  }
0x5c: {  	s30 =	sadd.s32 $0x1, s21;
	v8 =	vld [tilespmem:s8+$0xFFFFFFD0]  }
0x5d: {  	v10 =	vmov s30;
	v9 =	vld [tilespmem:s8+$0xFFFFFFE0]  }
0x5e: {  	v11 =	vld [tilespmem:s8+$0xFFFFFFF0]  }
0x5f: {  	v12 =	vld [tilespmem:s8+$0x0];
	v5 =	vmul.f32 v5, v6  }
0x60: {  	v13 =	vld [tilespmem:s8+$0x10];
	v14 =	vmul.f32 v7, v6  }
0x61: {  	v7 =	vld [tilespmem:s8+$0x20];
	v8 =	vmul.f32 v8, v6;
	[tilespmem:s8+$0x30] =	vst v5  }
0x62: {  	s7 =	simm.s32 $0x1CC0;
	v5 =	vld.idx.msk [tilespmem:v10+s25+$0x0], $0xffff;
	[tilespmem:s8+$0xFFFFFFC0] =	vst v14;
	v10 =	vmul.f32 v9, v6  }
0x63: {  	v9 =	vld [tilespmem:s7+$0x30];
	[tilespmem:s8+$0xFFFFFFD0] =	vst v8;
	v14 =	vmul.f32 v11, v6  }
0x64: {  	v8 =	vld [tilespmem:s7+$0xFFFFFFC0];
	v11 =	vmul.f32 v12, v6;
	[tilespmem:s8+$0xFFFFFFE0] =	vst v10  }
0x65: {  	s19 =	sadd.s32 $0x2, s21;
	s10 =	simm.s32 $0x3;
	v12 =	vmul.f32 v13, v6;
	v10 =	vld [tilespmem:s7+$0xFFFFFFD0];
	[tilespmem:s8+$0xFFFFFFF0] =	vst v14  }
.LBB2_4:
0x66: {  	p1 =	sne.s32 s10, $0x7F;
	v13 =	vmov s19;
	v14 =	vld [tilespmem:s7+$0xFFFFFFE0];
	[tilespmem:s8+$0x0] =	vst v11;
	v7 =	vmul.f32 v7, v6  }
0x67: {  	v11 =	vld [tilespmem:s7+$0xFFFFFFF0];
	[tilespmem:s8+$0x10] =	vst v12  }
0x68: {  	v6 =	vmov v5;
	v12 =	vld [tilespmem:s7+$0x0];
	v9 =	vmul.f32 v9, v5;
	[tilespmem:s8+$0x20] =	vst v7;
	s8 =	smov.u32 s7  }
0x69: {  	v8 =	vmul.f32 v8, v6;
	v15 =	vld [tilespmem:s7+$0x10]  }
.Ltmp1:
0x6a: {  	v10 =	vmul.f32 v10, v6;
	v7 =	vld [tilespmem:s7+$0x20];
	[tilespmem:s7+$0x30] =	vst v9;
	(pc) =	sbr.rel @p1 .LBB2_4-.Ltmp1, $4  }
0x6b: {  	s7 =	sadd.s32 $0x80, s7;
	v5 =	vld.idx.msk [tilespmem:v13+s25+$0x0], $0xffff;
	[tilespmem:s8+$0xFFFFFFC0] =	vst v8;
	v13 =	vmul.f32 v14, v6  }
0x6c: {  	v9 =	vld [tilespmem:s7+$0x30];
	[tilespmem:s8+$0xFFFFFFD0] =	vst v10;
	v14 =	vmul.f32 v11, v6  }
0x6d: {  	v8 =	vld [tilespmem:s7+$0xFFFFFFC0];
	[tilespmem:s8+$0xFFFFFFE0] =	vst v13;
	v11 =	vmul.f32 v12, v6  }
0x6e: {  	s19 =	sadd.s32 s10, s21;
	s10 =	sadd.s32 $0x1, s10;
	v10 =	vld [tilespmem:s7+$0xFFFFFFD0];
	[tilespmem:s8+$0xFFFFFFF0] =	vst v14;
	v12 =	vmul.f32 v15, v6  }
0x6f: {  	v14 =	vld [tilespmem:s7+$0xFFFFFFE0]  }
0x70: {  	v13 =	vmov s19;
	v15 =	vld [tilespmem:s7+$0xFFFFFFF0]  }
0x71: {  	[tilespmem:s8+$0x0] =	vst v11;
	v6 =	vmul.f32 v7, v6;
	v7 =	vld [tilespmem:s7+$0x0]  }
0x72: {  	v52 =	vld [tilespmem:s7+$0x10];
	[tilespmem:s8+$0x10] =	vst v12;
	v9 =	vmul.f32 v9, v5  }
0x73: {  	v53 =	vld [tilespmem:s7+$0x20];
	s30 =	sadd.s32 $0x80, s7;
	[tilespmem:s8+$0x20] =	vst v6;
	v6 =	vmul.f32 v8, v5  }
0x74: {  	v55 =	vld [tilespmem:s30+$0x30];
	v10 =	vmul.f32 v10, v5;
	[tilespmem:s7+$0x30] =	vst v9  }
0x75: {  	v54 =	vld.idx.msk [tilespmem:v13+s25+$0x0], $0xffff;
	[tilespmem:s7+$0xFFFFFFC0] =	vst v6;
	v6 =	vmul.f32 v14, v5  }
0x76: {  	v57 =	vld [tilespmem:s30+$0xFFFFFFC0];
	v56 =	vmul.f32 v15, v5;
	[tilespmem:s7+$0xFFFFFFD0] =	vst v10  }
0x77: {  	[tilespmem:s7+$0xFFFFFFE0] =	vst v6;
	v6 =	vmul.f32 v7, v5;
	v7 =	vld [tilespmem:s30+$0xFFFFFFD0]  }
0x78: {  	v59 =	vld [tilespmem:s30+$0xFFFFFFE0];
	v58 =	vmul.f32 v52, v5;
	[tilespmem:s7+$0xFFFFFFF0] =	vst v56  }
0x79: {  	v5 =	vmul.f32 v53, v5;
	[tilespmem:s7+$0x0] =	vst v6;
	v6 =	vld [tilespmem:s30+$0xFFFFFFF0]  }
0x7a: {  	v60 =	vld [tilespmem:s30+$0x0];
	[tilespmem:s7+$0x10] =	vst v58;
	v61 =	vmul.f32 v55, v54  }
0x7b: {  	v62 =	vld [tilespmem:s30+$0x10];
	[tilespmem:s7+$0x20] =	vst v5;
	v5 =	vmul.f32 v57, v54  }
0x7c: {  	v63 =	vld [tilespmem:s30+$0x20];
	v7 =	vmul.f32 v7, v54;
	[tilespmem:s30+$0x30] =	vst v61  }
0x7d: {  	[tilespmem:s30+$0xFFFFFFC0] =	vst v5;
	v5 =	vmul.f32 v59, v54  }
0x7e: {  	[tilespmem:s30+$0xFFFFFFD0] =	vst v7;
	v6 =	vmul.f32 v6, v54  }
0x7f: {  	[tilespmem:s30+$0xFFFFFFE0] =	vst v5;
	v5 =	vmul.f32 v60, v54  }
0x80: {  	[tilespmem:s30+$0xFFFFFFF0] =	vst v6;
	v6 =	vmul.f32 v62, v54  }
0x81: {  	[tilespmem:s30+$0x0] =	vst v5;
	v5 =	vmul.f32 v63, v54  }
0x82: {  	[tilespmem:s30+$0x10] =	vst v6  }
0x83: {  	[tilespmem:s30+$0x20] =	vst v5  }
0x84: {  	s7 =	simm.s32 $0x0;
	s8 =	rddreg [dreg:$0xc]  }
0x85: {  	[hbm4b:s8+s7] =	stream.linear.scatter [tilespmem:s22], [sflag:$0x2], $0x4000, $0x38;
	[tilespmem:$0x11C00] =	vst v63  }
.LBB2_6:
0x86: {  	_ =	sdelay $0x2  }
0x87: {  	s8 =	sshll.u32 s7, $0x4  }
0x88: {  	v5 =	vld.idx.msk [tilespmem:v4+s8+$0x1408 ss:$0x1], $0xff;
	_ =	sdelay $0x4  }
0x89: {  	v6 =	vshll.u32 v5, $0x4  }
0x8a: {  	v5 =	vand.u32 $0x7, v5;
	v6 =	vand.u32 $0xFFFFFF80, v6  }
0x8b: {  	v5 =	vor.u32 v5, v6  }
0x8c: {  	v5 =	vperm.xlane v5, v2;
	_ =	sdelay $0x1  }
0x8d: {  	v5 =	vadd.s32 v3, v5;
	_ =	sdelay $0x4  }
0x8e: {  	[tilespmem:s9], [sflag:$0x4] =	stream.indirect_vreg.gather [hbm4b:s1+s5], $0x80, v5, vm0, $0xb8;
	[tilespmem:$0x11C00] =	vst v63  }
0x8f: {  	s10 =	simm.s32 $0xA400  }
0x90: {  	[tilespmem:s10], [sflag:$0x4] =	stream.indirect_vreg.gather [hbm4b:s11+s5], $0x80, v5, vm0, $0xb8;
	[tilespmem:$0x11C00] =	vst v63  }
0x91: {  	s22 =	simm.s32 $0xAC00  }
0x92: {  	[tilespmem:s22], [sflag:$0x4] =	stream.indirect_vreg.gather [hbm4b:s12+s5], $0x80, v5, vm0, $0xb8;
	[tilespmem:$0x11C00] =	vst v63  }
0x93: {  	s30 =	simm.s32 $0xB400  }
0x94: {  	[tilespmem:s30], [sflag:$0x4] =	stream.indirect_vreg.gather [hbm4b:s14+s5], $0x80, v5, vm0, $0xb8;
	[tilespmem:$0x11C00] =	vst v63  }
0x95: {  	s19 =	simm.s32 $0xBC00  }
0x96: {  	[tilespmem:s19], [sflag:$0x4] =	stream.indirect_vreg.gather [hbm4b:s15+s5], $0x80, v5, vm0, $0xb8;
	[tilespmem:$0x11C00] =	vst v63  }
0x97: {  	s20 =	simm.s32 $0xC400  }
0x98: {  	[tilespmem:s20], [sflag:$0x4] =	stream.indirect_vreg.gather [hbm4b:s16+s5], $0x80, v5, vm0, $0xb8;
	[tilespmem:$0x11C00] =	vst v63  }
0x99: {  	s22 =	simm.s32 $0xCC00  }
0x9a: {  	[tilespmem:s22], [sflag:$0x4] =	stream.indirect_vreg.gather [hbm4b:s17+s5], $0x80, v5, vm0, $0xb8;
	[tilespmem:$0x11C00] =	vst v63  }
0x9b: {  	s30 =	simm.s32 $0xD400  }
0x9c: {  	[tilespmem:s30], [sflag:$0x4] =	stream.indirect_vreg.gather [hbm4b:s18+s5], $0x80, v5, vm0, $0xb8;
	[tilespmem:$0x11C00] =	vst v63  }
0x9d: {  	_ =	swait.ge [sflag:s31], $0x4000  }
0x9e: {  	p1 =	seq.s32 s7, $0x0;
	[sflag:s31] =	ssyncset.done $0x0  }
0x9f: {  	s10 =	simm.s32 @!p1 $0x5;
	[sflag:s31] =	ssyncadd.s32 $0xFFFFC000  }
0xa0: {  	_ =	swait.ge @!p1 [sflag:s10], $0x2000  }
0xa1: {  	s19 =	sadd.s32 s6, s8;
	s8 =	simm.s32 $0x0;
	[sflag:s10] =	ssyncset.done @!p1 $0x0  }
0xa2: {  	s28 =	sor.u32 $0x8, s19;
	[sflag:s10] =	ssyncadd.s32 @!p1 $0xFFFFE000;
	s10 =	simm.s32 $0xDC40  }
.LBB2_7:
0xa3: {  	s20 =	simm.s32 $0x1040  }
0xa4: {  	v5 =	vld [tilespmem:s20+$0xFFFFFFC0];
	_ =	sdelay $0x1  }
0xa5: {  	v6 =	vld [tilespmem:s20+$0xFFFFFFD0];
	_ =	sdelay $0x1  }
0xa6: {  	v7 =	vld [tilespmem:s20+$0xFFFFFFE0]  }
0xa7: {  	v8 =	vshll.u32 v5, $0x3  }
0xa8: {  	v10 =	vld [tilespmem:s20+$0xFFFFFFF0];
	v9 =	vand.u32 $0x7F, v5;
	v8 =	vand.u32 $0xFFFFFC00, v8  }
0xa9: {  	s22 =	sshll.u32 s8, $0x7;
	v8 =	vor.u32 v8, v9;
	v9 =	vshll.u32 v6, $0x3  }
0xaa: {  	v11 =	vld [tilespmem:s20+$0x0];
	v5 =	vmov s22;
	v6 =	vand.u32 $0x7F, v6;
	v9 =	vand.u32 $0xFFFFFC00, v9  }
0xab: {  	v8 =	vor.u32 v5, v8;
	v6 =	vor.u32 v9, v6;
	v9 =	vshll.u32 v7, $0x3  }
0xac: {  	v12 =	vld [tilespmem:s20+$0x10];
	v7 =	vand.u32 $0x7F, v7;
	v9 =	vand.u32 $0xFFFFFC00, v9  }
0xad: {  	v6 =	vor.u32 v5, v6;
	v7 =	vor.u32 v9, v7;
	v9 =	vshll.u32 v10, $0x3  }
0xae: {  	v13 =	vld [tilespmem:s20+$0x20];
	v10 =	vand.u32 $0x7F, v10;
	v9 =	vand.u32 $0xFFFFFC00, v9  }
0xaf: {  	v14 =	vld [tilespmem:s20+$0x30];
	v7 =	vor.u32 v5, v7;
	v9 =	vor.u32 v9, v10;
	v10 =	vshll.u32 v11, $0x3  }
0xb0: {  	s22 =	simm.s32 $0x10C0;
	v8 =	vld.idx.msk [tilespmem:v8+s29+$0x0], $0xffff;
	v11 =	vand.u32 $0x7F, v11;
	v9 =	vor.u32 v5, v9;
	v10 =	vand.u32 $0xFFFFFC00, v10  }
0xb1: {  	v15 =	vld [tilespmem:s22+$0xFFFFFFC0];
	v10 =	vor.u32 v10, v11;
	v11 =	vshll.u32 v12, $0x3  }
0xb2: {  	v6 =	vld.idx.msk [tilespmem:v6+s29+$0x0], $0xffff;
	v12 =	vand.u32 $0x7F, v12;
	v10 =	vor.u32 v5, v10;
	v11 =	vand.u32 $0xFFFFFC00, v11  }
0xb3: {  	v16 =	vimm.f32 $0.0e+00;
	v17 =	vld [tilespmem:s22+$0xFFFFFFD0];
	v11 =	vor.u32 v11, v12;
	v12 =	vshll.u32 v13, $0x3  }
0xb4: {  	v7 =	vld.idx.msk [tilespmem:v7+s29+$0x0], $0xffff;
	v13 =	vand.u32 $0x7F, v13;
	v11 =	vor.u32 v5, v11;
	v12 =	vand.u32 $0xFFFFFC00, v12  }
0xb5: {  	v16 =	vadd.f32 v8, v16;
	v18 =	vld.idx.msk [tilespmem:v9+s29+$0x0], $0xffff;
	v9 =	vor.u32 v12, v13;
	v12 =	vshll.u32 v14, $0x3  }
0xb6: {  	v13 =	vld [tilespmem:s22+$0xFFFFFFE0];
	v14 =	vand.u32 $0x7F, v14;
	v9 =	vor.u32 v5, v9;
	v12 =	vand.u32 $0xFFFFFC00, v12  }
0xb7: {  	v19 =	vshll.u32 v15, $0x3;
	v16 =	vadd.f32 v6, v16;
	v20 =	vld.idx.msk [tilespmem:v10+s29+$0x0], $0xffff;
	v10 =	vor.u32 v12, v14  }
0xb8: {  	v12 =	vand.u32 $0x7F, v15;
	v14 =	vand.u32 $0xFFFFFC00, v19;
	v15 =	vld [tilespmem:s22+$0xFFFFFFF0];
	v10 =	vor.u32 v5, v10  }
0xb9: {  	v12 =	vor.u32 v14, v12;
	v14 =	vshll.u32 v17, $0x3;
	v16 =	vadd.f32 v7, v16;
	v11 =	vld.idx.msk [tilespmem:v11+s29+$0x0], $0xffff  }
0xba: {  	v19 =	vor.u32 v5, v12;
	v12 =	vand.u32 $0x7F, v17;
	v14 =	vand.u32 $0xFFFFFC00, v14;
	v17 =	vld [tilespmem:s22+$0x0]  }
0xbb: {  	[tilespmem:s10+$0xFFFFFFC0] =	vst v8;
	v8 =	vor.u32 v14, v12;
	v12 =	vshll.u32 v13, $0x3;
	v14 =	vadd.f32 v18, v16;
	v21 =	vld.idx.msk [tilespmem:v9+s29+$0x0], $0xffff  }
0xbc: {  	[tilespmem:s10+$0xFFFFFFD0] =	vst v6;
	v6 =	vand.u32 $0x7F, v13;
	v8 =	vor.u32 v5, v8;
	v12 =	vand.u32 $0xFFFFFC00, v12;
	v9 =	vld [tilespmem:s22+$0x10]  }
0xbd: {  	[tilespmem:s10+$0xFFFFFFE0] =	vst v7;
	v7 =	vor.u32 v12, v6;
	v13 =	vshll.u32 v15, $0x3;
	v14 =	vadd.f32 v20, v14;
	v6 =	vld.idx.msk [tilespmem:v10+s29+$0x0], $0xffff  }
0xbe: {  	[tilespmem:s10+$0xFFFFFFF0] =	vst v18;
	v15 =	vand.u32 $0x7F, v15;
	v12 =	vor.u32 v5, v7;
	v13 =	vand.u32 $0xFFFFFC00, v13;
	v10 =	vld [tilespmem:s22+$0x20]  }
0xbf: {  	[tilespmem:s10+$0x0] =	vst v20;
	v7 =	vld.idx.msk [tilespmem:v19+s29+$0x0], $0xffff;
	v13 =	vor.u32 v13, v15;
	v15 =	vshll.u32 v17, $0x3;
	v14 =	vadd.f32 v11, v14  }
0xc0: {  	[tilespmem:s10+$0x10] =	vst v11;
	v16 =	vand.u32 $0x7F, v17;
	v11 =	vld [tilespmem:s22+$0x30];
	v13 =	vor.u32 v5, v13;
	v15 =	vand.u32 $0xFFFFFC00, v15  }
0xc1: {  	s30 =	simm.s32 $0x1140;
	s20 =	smov.u32 s10;
	s22 =	simm.s32 $0x8;
	v8 =	vld.idx.msk [tilespmem:v8+s29+$0x0], $0xffff;
	v16 =	vor.u32 v15, v16;
	v15 =	vshll.u32 v9, $0x3;
	[tilespmem:s10+$0x20] =	vst v21;
	v14 =	vadd.f32 v21, v14  }
.LBB2_8:
0xc2: {  	v17 =	vld [tilespmem:s30+$0xFFFFFFC0];
	s22 =	sadd.s32 $0x8, s22;
	v16 =	vor.u32 v5, v16;
	v9 =	vand.u32 $0x7F, v9;
	v15 =	vand.u32 $0xFFFFFC00, v15  }
0xc3: {  	p2 =	slt.u32 s22, $0x38;
	v12 =	vld.idx.msk [tilespmem:v12+s29+$0x0], $0xffff;
	v9 =	vor.u32 v15, v9;
	v15 =	vshll.u32 v10, $0x3;
	[tilespmem:s20+$0x30] =	vst v6;
	v6 =	vadd.f32 v6, v14  }
0xc4: {  	v10 =	vand.u32 $0x7F, v10;
	s20 =	sadd.s32 $0x400, s20;
	v14 =	vld [tilespmem:s30+$0xFFFFFFD0];
	v9 =	vor.u32 v5, v9;
	v15 =	vand.u32 $0xFFFFFC00, v15  }
0xc5: {  	[tilespmem:s20+$0xFFFFFFC0] =	vst v7;
	v6 =	vadd.f32 v7, v6;
	v7 =	vld.idx.msk [tilespmem:v13+s29+$0x0], $0xffff;
	v10 =	vor.u32 v15, v10;
	v13 =	vshll.u32 v11, $0x3  }
0xc6: {  	v11 =	vand.u32 $0x7F, v11;
	v15 =	vld [tilespmem:s30+$0xFFFFFFE0];
	v10 =	vor.u32 v5, v10;
	v13 =	vand.u32 $0xFFFFFC00, v13  }
0xc7: {  	v18 =	vshll.u32 v17, $0x3;
	[tilespmem:s20+$0xFFFFFFD0] =	vst v8;
	v6 =	vadd.f32 v8, v6;
	v8 =	vld.idx.msk [tilespmem:v16+s29+$0x0], $0xffff;
	v11 =	vor.u32 v13, v11  }
0xc8: {  	v13 =	vand.u32 $0x7F, v17;
	v16 =	vand.u32 $0xFFFFFC00, v18;
	v17 =	vld [tilespmem:s30+$0xFFFFFFF0];
	v11 =	vor.u32 v5, v11  }
0xc9: {  	v13 =	vor.u32 v16, v13;
	v16 =	vshll.u32 v14, $0x3;
	[tilespmem:s20+$0xFFFFFFE0] =	vst v12;
	v6 =	vadd.f32 v12, v6;
	v18 =	vld.idx.msk [tilespmem:v9+s29+$0x0], $0xffff  }
0xca: {  	v9 =	vand.u32 $0x7F, v14;
	v13 =	vor.u32 v5, v13;
	v12 =	vand.u32 $0xFFFFFC00, v16;
	v14 =	vld [tilespmem:s30+$0x0]  }
0xcb: {  	v9 =	vor.u32 v12, v9;
	v12 =	vshll.u32 v15, $0x3;
	[tilespmem:s20+$0xFFFFFFF0] =	vst v7;
	v6 =	vadd.f32 v7, v6;
	v19 =	vld.idx.msk [tilespmem:v10+s29+$0x0], $0xffff  }
0xcc: {  	v7 =	vand.u32 $0x7F, v15;
	v16 =	vor.u32 v5, v9;
	v10 =	vand.u32 $0xFFFFFC00, v12;
	v9 =	vld [tilespmem:s30+$0x10]  }
.Ltmp2:
0xcd: {  	v7 =	vor.u32 v10, v7;
	v10 =	vshll.u32 v17, $0x3;
	[tilespmem:s20+$0x0] =	vst v8;
	v8 =	vadd.f32 v8, v6;
	v6 =	vld.idx.msk [tilespmem:v11+s29+$0x0], $0xffff;
	(pc) =	sbr.rel @p2 .LBB2_8-.Ltmp2, $4  }
0xce: {  	v11 =	vand.u32 $0x7F, v17;
	v12 =	vor.u32 v5, v7;
	v15 =	vand.u32 $0xFFFFFC00, v10;
	v10 =	vld [tilespmem:s30+$0x20]  }
0xcf: {  	v7 =	vld.idx.msk [tilespmem:v13+s29+$0x0], $0xffff;
	v11 =	vor.u32 v15, v11;
	v15 =	vshll.u32 v14, $0x3;
	[tilespmem:s20+$0x10] =	vst v18;
	v17 =	vadd.f32 v18, v8  }
0xd0: {  	v14 =	vand.u32 $0x7F, v14;
	v13 =	vor.u32 v5, v11;
	v15 =	vand.u32 $0xFFFFFC00, v15;
	v11 =	vld [tilespmem:s30+$0x30]  }
0xd1: {  	s30 =	sadd.s32 $0x80, s30;
	v8 =	vld.idx.msk [tilespmem:v16+s29+$0x0], $0xffff;
	v16 =	vor.u32 v15, v14;
	v15 =	vshll.u32 v9, $0x3;
	[tilespmem:s20+$0x20] =	vst v19;
	v14 =	vadd.f32 v19, v17  }
0xd2: {  	_ =	sdelay $0x1  }
0xd3: {  	v16 =	vor.u32 v5, v16  }
0xd4: {  	v9 =	vand.u32 $0x7F, v9;
	v15 =	vand.u32 $0xFFFFFC00, v15;
	v14 =	vadd.f32 v6, v14  }
0xd5: {  	v12 =	vld.idx.msk [tilespmem:v12+s29+$0x0], $0xffff;
	v17 =	vshll.u32 v10, $0x3;
	v9 =	vor.u32 v15, v9;
	v10 =	vand.u32 $0x7F, v10  }
0xd6: {  	v15 =	vand.u32 $0xFFFFFC00, v17;
	v9 =	vor.u32 v5, v9;
	v14 =	vadd.f32 v7, v14  }
0xd7: {  	v13 =	vld.idx.msk [tilespmem:v13+s29+$0x0], $0xffff;
	v10 =	vor.u32 v15, v10;
	v15 =	vshll.u32 v11, $0x3;
	v11 =	vand.u32 $0x7F, v11  }
0xd8: {  	v10 =	vor.u32 v5, v10;
	v15 =	vand.u32 $0xFFFFFC00, v15;
	v14 =	vadd.f32 v8, v14  }
0xd9: {  	v16 =	vld.idx.msk [tilespmem:v16+s29+$0x0], $0xffff;
	v11 =	vor.u32 v15, v11  }
0xda: {  	v5 =	vor.u32 v5, v11;
	v11 =	vadd.f32 v12, v14  }
0xdb: {  	v9 =	vld.idx.msk [tilespmem:v9+s29+$0x0], $0xffff  }
0xdc: {  	v11 =	vadd.f32 v13, v11  }
0xdd: {  	v10 =	vld.idx.msk [tilespmem:v10+s29+$0x0], $0xffff  }
0xde: {  	v11 =	vadd.f32 v16, v11  }
0xdf: {  	v5 =	vld.idx.msk [tilespmem:v5+s29+$0x0], $0xffff  }
0xe0: {  	v11 =	vadd.f32 v9, v11;
	_ =	sdelay $0x1  }
0xe1: {  	v11 =	vadd.f32 v10, v11;
	_ =	sdelay $0x1  }
0xe2: {  	v11 =	vadd.f32 v5, v11;
	_ =	sdelay $0x1  }
0xe3: {  	(xrf2) =	vadd.scan.msk.f32 $0xffff, v11;
	_ =	sdelay $0x9  }
0xe4: {  	v11, _, _ =	vpop (xrf2)  }
0xe5: {  	[tilespmem:s20+$0x30] =	vst v6;
	s22 =	sadd.s32 $0x400, s20;
	v6 =	vadd.f32 $1.000000010e-10, v11  }
0xe6: {  	[tilespmem:s22+$0xFFFFFFC0] =	vst v7  }
0xe7: {  	[tilespmem:s22+$0xFFFFFFD0] =	vst v8;
	v6 =	vbroadcast v6, $0xF  }
0xe8: {  	[tilespmem:s22+$0xFFFFFFE0] =	vst v12  }
0xe9: {  	[tilespmem:s22+$0xFFFFFFF0] =	vst v13;
	(erf) = vrcp.f32 v6  }
0xea: {  	[tilespmem:s22+$0x0] =	vst v16  }
0xeb: {  	[tilespmem:s22+$0x10] =	vst v9  }
0xec: {  	[tilespmem:s22+$0x20] =	vst v10  }
0xed: {  	[tilespmem:s22+$0x30] =	vst v5  }
0xee: {  	v8 =	vld [tilespmem:s10+$0x30]  }
0xef: {  	v10 =	vld [tilespmem:s10+$0xFFFFFFD0]  }
0xf0: {  	v12 =	vld [tilespmem:s10+$0xFFFFFFE0]  }
0xf1: {  	v9 =	vld [tilespmem:s10+$0xFFFFFFF0]  }
0xf2: {  	v7 =	vld [tilespmem:s10+$0x0];
	v5 =	vpop (erf)  }
0xf3: {  	v6 =	vld [tilespmem:s10+$0x10];
	v13 =	vmul.f32 v8, v5  }
0xf4: {  	v8 =	vld [tilespmem:s10+$0x20];
	v11 =	vmul.f32 v10, v5  }
0xf5: {  	s30 =	sadd.s32 $0x400, s10;
	s20 =	smov.u32 s10;
	s22 =	simm.s32 $0x0;
	v10 =	vld [tilespmem:s10+$0xFFFFFFC0];
	v12 =	vmul.f32 v12, v5;
	[tilespmem:s10+$0x30] =	vst v13  }
.LBB2_10:
0xf6: {  	v13 =	vld [tilespmem:s30+$0x30];
	s22 =	sadd.s32 $0x8, s22;
	[tilespmem:s20+$0xFFFFFFD0] =	vst v11;
	v9 =	vmul.f32 v9, v5  }
0xf7: {  	v11 =	vld [tilespmem:s30+$0xFFFFFFD0];
	p2 =	slt.u32 s22, $0x38;
	[tilespmem:s20+$0xFFFFFFE0] =	vst v12;
	v7 =	vmul.f32 v7, v5  }
0xf8: {  	v12 =	vld [tilespmem:s30+$0xFFFFFFE0];
	[tilespmem:s20+$0xFFFFFFF0] =	vst v9;
	v6 =	vmul.f32 v6, v5  }
.Ltmp3:
0xf9: {  	v9 =	vld [tilespmem:s30+$0xFFFFFFF0];
	[tilespmem:s20+$0x0] =	vst v7;
	v8 =	vmul.f32 v8, v5;
	(pc) =	sbr.rel @p2 .LBB2_10-.Ltmp3, $4  }
0xfa: {  	v7 =	vld [tilespmem:s30+$0x0];
	v10 =	vmul.f32 v10, v5;
	[tilespmem:s20+$0x10] =	vst v6  }
0xfb: {  	v6 =	vld [tilespmem:s30+$0x10];
	v13 =	vmul.f32 v13, v5;
	[tilespmem:s20+$0x20] =	vst v8  }
0xfc: {  	v11 =	vmul.f32 v11, v5;
	v8 =	vld [tilespmem:s30+$0x20];
	[tilespmem:s20+$0xFFFFFFC0] =	vst v10;
	s20 =	smov.u32 s30  }
0xfd: {  	s30 =	sadd.s32 $0x400, s30;
	v10 =	vld [tilespmem:s20+$0xFFFFFFC0];
	v12 =	vmul.f32 v12, v5;
	[tilespmem:s20+$0x30] =	vst v13  }
0xfe: {  	[tilespmem:s20+$0xFFFFFFD0] =	vst v11;
	v9 =	vmul.f32 v9, v5;
	s8 =	sadd.s32 $0x1, s8  }
0xff: {  	[tilespmem:s20+$0xFFFFFFE0] =	vst v12;
	v7 =	vmul.f32 v7, v5;
	p2 =	sne.s32 s8, $0x8  }
.Ltmp4:
0x100: {  	[tilespmem:s20+$0xFFFFFFF0] =	vst v9;
	v6 =	vmul.f32 v6, v5;
	(pc) =	sbr.rel @p2 .LBB2_7-.Ltmp4, $4  }
0x101: {  	[tilespmem:s20+$0x0] =	vst v7;
	v7 =	vmul.f32 v8, v5  }
0x102: {  	v5 =	vmul.f32 v10, v5;
	[tilespmem:s20+$0x10] =	vst v6  }
0x103: {  	[tilespmem:s20+$0x20] =	vst v7  }
0x104: {  	s10 =	sadd.s32 $0x80, s10;
	[tilespmem:s20+$0xFFFFFFC0] =	vst v5  }
0x105: {  	p2 =	sne.s32 s7, $0x7  }
.Ltmp5:
0x106: {  	_ = 	snop;
	(pc) =	sbr.rel @p2 .LBB2_14-.Ltmp5, $4  }
0x107: {  	s8 =	sadd.s32 s13, s19  }
0x108: {  	s8 =	sshll.u32 s8, $0x7  }
0x109: {  	s8 =	sadd.s32 s3, s8  }
0x10a: {  	[hbm4b:s8+s5] =	stream.linear.scatter [tilespmem:s0], [sflag:$0x5], $0x2000, $0x38;
	[tilespmem:$0x11C00] =	vst v63  }
.Ltmp6:
0x10b: {  	(pc) =	sbr.rel .LBB2_15-.Ltmp6, $4  }
0x10c: {  	_ = 	snop  }
0x10d: {  	_ =	swait.ge [sflag:s4], $0x4000  }
0x10e: {  	[sflag:s4] =	ssyncset.done $0x0  }
0x10f: {  	[sflag:s4] =	ssyncadd.s32 $0xFFFFC000  }
.LBB2_14:
0x110: {  	v5 =	vld.msk [tilespmem:s19+$0x1410], $0xff;
	_ =	sdelay $0x4  }
0x111: {  	v6 =	vshll.u32 v5, $0x4  }
0x112: {  	v5 =	vand.u32 $0x7, v5;
	v6 =	vand.u32 $0xFFFFFF80, v6  }
0x113: {  	v5 =	vor.u32 v5, v6  }
0x114: {  	v5 =	vperm.xlane v5, v2;
	_ =	sdelay $0x1  }
0x115: {  	v5 =	vadd.s32 v3, v5;
	_ =	sdelay $0x4  }
0x116: {  	[tilespmem:s29], [sflag:$0x3] =	stream.indirect_vreg.gather [hbm4b:s1+s5], $0x80, v5, vm0, $0xb8;
	[tilespmem:$0x11C00] =	vst v63  }
0x117: {  	s8 =	simm.s32 $0x6400  }
0x118: {  	[tilespmem:s8], [sflag:$0x3] =	stream.indirect_vreg.gather [hbm4b:s11+s5], $0x80, v5, vm0, $0xb8;
	[tilespmem:$0x11C00] =	vst v63  }
0x119: {  	s30 =	simm.s32 $0x6C00  }
0x11a: {  	[tilespmem:s30], [sflag:$0x3] =	stream.indirect_vreg.gather [hbm4b:s12+s5], $0x80, v5, vm0, $0xb8;
	[tilespmem:$0x11C00] =	vst v63  }
0x11b: {  	s10 =	simm.s32 $0x7400  }
0x11c: {  	[tilespmem:s10], [sflag:$0x3] =	stream.indirect_vreg.gather [hbm4b:s14+s5], $0x80, v5, vm0, $0xb8;
	[tilespmem:$0x11C00] =	vst v63  }
0x11d: {  	s19 =	simm.s32 $0x7C00  }
0x11e: {  	[tilespmem:s19], [sflag:$0x3] =	stream.indirect_vreg.gather [hbm4b:s15+s5], $0x80, v5, vm0, $0xb8;
	[tilespmem:$0x11C00] =	vst v63  }
0x11f: {  	s20 =	simm.s32 $0x8400  }
0x120: {  	[tilespmem:s20], [sflag:$0x3] =	stream.indirect_vreg.gather [hbm4b:s16+s5], $0x80, v5, vm0, $0xb8;
	[tilespmem:$0x11C00] =	vst v63  }
0x121: {  	s22 =	simm.s32 $0x8C00  }
0x122: {  	[tilespmem:s22], [sflag:$0x3] =	stream.indirect_vreg.gather [hbm4b:s17+s5], $0x80, v5, vm0, $0xb8;
	[tilespmem:$0x11C00] =	vst v63  }
.Ltmp7:
0x123: {  	s30 =	simm.s32 $0x9400;
	(pc) =	sbr.rel @p1 .LBB2_16-.Ltmp7, $4  }
0x124: {  	[tilespmem:s30], [sflag:$0x3] =	stream.indirect_vreg.gather [hbm4b:s18+s5], $0x80, v5, vm0, $0xb8;
	[tilespmem:$0x11C00] =	vst v63  }
0x125: {  	_ =	swait.ge [sflag:s4], $0x4000  }
0x126: {  	[sflag:s4] =	ssyncset.done $0x0  }
0x127: {  	[sflag:s4] =	ssyncadd.s32 $0xFFFFC000  }
.LBB2_15:
0x128: {  	_ =	swait.ge [sflag:s2], $0x2000  }
0x129: {  	[sflag:s2] =	ssyncset.done $0x0  }
0x12a: {  	[sflag:s2] =	ssyncadd.s32 $0xFFFFE000  }
.LBB2_16:
0x12b: {  	s19 =	simm.s32 $0x0;
	s8 =	simm.s32 $0xFC40  }
.LBB2_17:
0x12c: {  	s10 =	simm.s32 $0x1040  }
0x12d: {  	v5 =	vld [tilespmem:s10+$0xFFFFFFC0];
	_ =	sdelay $0x1  }
0x12e: {  	v6 =	vld [tilespmem:s10+$0xFFFFFFD0];
	_ =	sdelay $0x1  }
0x12f: {  	v7 =	vld [tilespmem:s10+$0xFFFFFFE0]  }
0x130: {  	v8 =	vshll.u32 v5, $0x3  }
0x131: {  	v10 =	vld [tilespmem:s10+$0xFFFFFFF0];
	v9 =	vand.u32 $0x7F, v5;
	v8 =	vand.u32 $0xFFFFFC00, v8  }
0x132: {  	s20 =	sshll.u32 s19, $0x7;
	v8 =	vor.u32 v8, v9;
	v9 =	vshll.u32 v6, $0x3  }
0x133: {  	v11 =	vld [tilespmem:s10+$0x0];
	v5 =	vmov s20;
	v6 =	vand.u32 $0x7F, v6;
	v9 =	vand.u32 $0xFFFFFC00, v9  }
0x134: {  	v8 =	vor.u32 v5, v8;
	v6 =	vor.u32 v9, v6;
	v9 =	vshll.u32 v7, $0x3  }
0x135: {  	v12 =	vld [tilespmem:s10+$0x10];
	v7 =	vand.u32 $0x7F, v7;
	v9 =	vand.u32 $0xFFFFFC00, v9  }
0x136: {  	v6 =	vor.u32 v5, v6;
	v7 =	vor.u32 v9, v7;
	v9 =	vshll.u32 v10, $0x3  }
0x137: {  	v13 =	vld [tilespmem:s10+$0x20];
	v10 =	vand.u32 $0x7F, v10;
	v9 =	vand.u32 $0xFFFFFC00, v9  }
0x138: {  	v14 =	vld [tilespmem:s10+$0x30];
	v7 =	vor.u32 v5, v7;
	v9 =	vor.u32 v9, v10;
	v10 =	vshll.u32 v11, $0x3  }
0x139: {  	s30 =	simm.s32 $0x10C0;
	v8 =	vld.idx.msk [tilespmem:v8+s9+$0x0], $0xffff;
	v11 =	vand.u32 $0x7F, v11;
	v9 =	vor.u32 v5, v9;
	v10 =	vand.u32 $0xFFFFFC00, v10  }
0x13a: {  	v15 =	vld [tilespmem:s30+$0xFFFFFFC0];
	v10 =	vor.u32 v10, v11;
	v11 =	vshll.u32 v12, $0x3  }
0x13b: {  	v6 =	vld.idx.msk [tilespmem:v6+s9+$0x0], $0xffff;
	v12 =	vand.u32 $0x7F, v12;
	v10 =	vor.u32 v5, v10;
	v11 =	vand.u32 $0xFFFFFC00, v11  }
0x13c: {  	v16 =	vimm.f32 $0.0e+00;
	v17 =	vld [tilespmem:s30+$0xFFFFFFD0];
	v11 =	vor.u32 v11, v12;
	v12 =	vshll.u32 v13, $0x3  }
0x13d: {  	v7 =	vld.idx.msk [tilespmem:v7+s9+$0x0], $0xffff;
	v13 =	vand.u32 $0x7F, v13;
	v11 =	vor.u32 v5, v11;
	v12 =	vand.u32 $0xFFFFFC00, v12  }
0x13e: {  	v16 =	vadd.f32 v8, v16;
	v18 =	vld.idx.msk [tilespmem:v9+s9+$0x0], $0xffff;
	v9 =	vor.u32 v12, v13;
	v12 =	vshll.u32 v14, $0x3  }
0x13f: {  	v13 =	vld [tilespmem:s30+$0xFFFFFFE0];
	v14 =	vand.u32 $0x7F, v14;
	v9 =	vor.u32 v5, v9;
	v12 =	vand.u32 $0xFFFFFC00, v12  }
0x140: {  	v19 =	vshll.u32 v15, $0x3;
	v16 =	vadd.f32 v6, v16;
	v20 =	vld.idx.msk [tilespmem:v10+s9+$0x0], $0xffff;
	v10 =	vor.u32 v12, v14  }
0x141: {  	v12 =	vand.u32 $0x7F, v15;
	v14 =	vand.u32 $0xFFFFFC00, v19;
	v15 =	vld [tilespmem:s30+$0xFFFFFFF0];
	v10 =	vor.u32 v5, v10  }
0x142: {  	v12 =	vor.u32 v14, v12;
	v14 =	vshll.u32 v17, $0x3;
	v16 =	vadd.f32 v7, v16;
	v11 =	vld.idx.msk [tilespmem:v11+s9+$0x0], $0xffff  }
0x143: {  	v19 =	vor.u32 v5, v12;
	v12 =	vand.u32 $0x7F, v17;
	v14 =	vand.u32 $0xFFFFFC00, v14;
	v17 =	vld [tilespmem:s30+$0x0]  }
0x144: {  	[tilespmem:s8+$0xFFFFFFC0] =	vst v8;
	v8 =	vor.u32 v14, v12;
	v12 =	vshll.u32 v13, $0x3;
	v14 =	vadd.f32 v18, v16;
	v21 =	vld.idx.msk [tilespmem:v9+s9+$0x0], $0xffff  }
0x145: {  	[tilespmem:s8+$0xFFFFFFD0] =	vst v6;
	v6 =	vand.u32 $0x7F, v13;
	v8 =	vor.u32 v5, v8;
	v12 =	vand.u32 $0xFFFFFC00, v12;
	v9 =	vld [tilespmem:s30+$0x10]  }
0x146: {  	[tilespmem:s8+$0xFFFFFFE0] =	vst v7;
	v7 =	vor.u32 v12, v6;
	v13 =	vshll.u32 v15, $0x3;
	v14 =	vadd.f32 v20, v14;
	v6 =	vld.idx.msk [tilespmem:v10+s9+$0x0], $0xffff  }
0x147: {  	[tilespmem:s8+$0xFFFFFFF0] =	vst v18;
	v15 =	vand.u32 $0x7F, v15;
	v12 =	vor.u32 v5, v7;
	v13 =	vand.u32 $0xFFFFFC00, v13;
	v10 =	vld [tilespmem:s30+$0x20]  }
0x148: {  	[tilespmem:s8+$0x0] =	vst v20;
	v7 =	vld.idx.msk [tilespmem:v19+s9+$0x0], $0xffff;
	v13 =	vor.u32 v13, v15;
	v15 =	vshll.u32 v17, $0x3;
	v14 =	vadd.f32 v11, v14  }
0x149: {  	[tilespmem:s8+$0x10] =	vst v11;
	v16 =	vand.u32 $0x7F, v17;
	v11 =	vld [tilespmem:s30+$0x30];
	v13 =	vor.u32 v5, v13;
	v15 =	vand.u32 $0xFFFFFC00, v15  }
0x14a: {  	s22 =	simm.s32 $0x1140;
	s10 =	smov.u32 s8;
	s20 =	simm.s32 $0x8;
	v8 =	vld.idx.msk [tilespmem:v8+s9+$0x0], $0xffff;
	v16 =	vor.u32 v15, v16;
	v15 =	vshll.u32 v9, $0x3;
	[tilespmem:s8+$0x20] =	vst v21;
	v14 =	vadd.f32 v21, v14  }
.LBB2_18:
0x14b: {  	v17 =	vld [tilespmem:s22+$0xFFFFFFC0];
	s20 =	sadd.s32 $0x8, s20;
	v16 =	vor.u32 v5, v16;
	v9 =	vand.u32 $0x7F, v9;
	v15 =	vand.u32 $0xFFFFFC00, v15  }
0x14c: {  	p1 =	slt.u32 s20, $0x38;
	v12 =	vld.idx.msk [tilespmem:v12+s9+$0x0], $0xffff;
	v9 =	vor.u32 v15, v9;
	v15 =	vshll.u32 v10, $0x3;
	[tilespmem:s10+$0x30] =	vst v6;
	v6 =	vadd.f32 v6, v14  }
0x14d: {  	v10 =	vand.u32 $0x7F, v10;
	s10 =	sadd.s32 $0x400, s10;
	v14 =	vld [tilespmem:s22+$0xFFFFFFD0];
	v9 =	vor.u32 v5, v9;
	v15 =	vand.u32 $0xFFFFFC00, v15  }
0x14e: {  	[tilespmem:s10+$0xFFFFFFC0] =	vst v7;
	v6 =	vadd.f32 v7, v6;
	v7 =	vld.idx.msk [tilespmem:v13+s9+$0x0], $0xffff;
	v10 =	vor.u32 v15, v10;
	v13 =	vshll.u32 v11, $0x3  }
0x14f: {  	v11 =	vand.u32 $0x7F, v11;
	v15 =	vld [tilespmem:s22+$0xFFFFFFE0];
	v10 =	vor.u32 v5, v10;
	v13 =	vand.u32 $0xFFFFFC00, v13  }
0x150: {  	v18 =	vshll.u32 v17, $0x3;
	[tilespmem:s10+$0xFFFFFFD0] =	vst v8;
	v6 =	vadd.f32 v8, v6;
	v8 =	vld.idx.msk [tilespmem:v16+s9+$0x0], $0xffff;
	v11 =	vor.u32 v13, v11  }
0x151: {  	v13 =	vand.u32 $0x7F, v17;
	v16 =	vand.u32 $0xFFFFFC00, v18;
	v17 =	vld [tilespmem:s22+$0xFFFFFFF0];
	v11 =	vor.u32 v5, v11  }
0x152: {  	v13 =	vor.u32 v16, v13;
	v16 =	vshll.u32 v14, $0x3;
	[tilespmem:s10+$0xFFFFFFE0] =	vst v12;
	v6 =	vadd.f32 v12, v6;
	v18 =	vld.idx.msk [tilespmem:v9+s9+$0x0], $0xffff  }
0x153: {  	v9 =	vand.u32 $0x7F, v14;
	v13 =	vor.u32 v5, v13;
	v12 =	vand.u32 $0xFFFFFC00, v16;
	v14 =	vld [tilespmem:s22+$0x0]  }
0x154: {  	v9 =	vor.u32 v12, v9;
	v12 =	vshll.u32 v15, $0x3;
	[tilespmem:s10+$0xFFFFFFF0] =	vst v7;
	v6 =	vadd.f32 v7, v6;
	v19 =	vld.idx.msk [tilespmem:v10+s9+$0x0], $0xffff  }
0x155: {  	v7 =	vand.u32 $0x7F, v15;
	v16 =	vor.u32 v5, v9;
	v10 =	vand.u32 $0xFFFFFC00, v12;
	v9 =	vld [tilespmem:s22+$0x10]  }
.Ltmp8:
0x156: {  	v7 =	vor.u32 v10, v7;
	v10 =	vshll.u32 v17, $0x3;
	[tilespmem:s10+$0x0] =	vst v8;
	v8 =	vadd.f32 v8, v6;
	v6 =	vld.idx.msk [tilespmem:v11+s9+$0x0], $0xffff;
	(pc) =	sbr.rel @p1 .LBB2_18-.Ltmp8, $4  }
0x157: {  	v11 =	vand.u32 $0x7F, v17;
	v12 =	vor.u32 v5, v7;
	v15 =	vand.u32 $0xFFFFFC00, v10;
	v10 =	vld [tilespmem:s22+$0x20]  }
0x158: {  	v7 =	vld.idx.msk [tilespmem:v13+s9+$0x0], $0xffff;
	v11 =	vor.u32 v15, v11;
	v15 =	vshll.u32 v14, $0x3;
	[tilespmem:s10+$0x10] =	vst v18;
	v17 =	vadd.f32 v18, v8  }
0x159: {  	v14 =	vand.u32 $0x7F, v14;
	v13 =	vor.u32 v5, v11;
	v15 =	vand.u32 $0xFFFFFC00, v15;
	v11 =	vld [tilespmem:s22+$0x30]  }
0x15a: {  	s22 =	sadd.s32 $0x80, s22;
	v8 =	vld.idx.msk [tilespmem:v16+s9+$0x0], $0xffff;
	v16 =	vor.u32 v15, v14;
	v15 =	vshll.u32 v9, $0x3;
	[tilespmem:s10+$0x20] =	vst v19;
	v14 =	vadd.f32 v19, v17  }
0x15b: {  	_ =	sdelay $0x1  }
0x15c: {  	v16 =	vor.u32 v5, v16  }
0x15d: {  	v9 =	vand.u32 $0x7F, v9;
	v15 =	vand.u32 $0xFFFFFC00, v15;
	v14 =	vadd.f32 v6, v14  }
0x15e: {  	v12 =	vld.idx.msk [tilespmem:v12+s9+$0x0], $0xffff;
	v17 =	vshll.u32 v10, $0x3;
	v9 =	vor.u32 v15, v9;
	v10 =	vand.u32 $0x7F, v10  }
0x15f: {  	v15 =	vand.u32 $0xFFFFFC00, v17;
	v9 =	vor.u32 v5, v9;
	v14 =	vadd.f32 v7, v14  }
0x160: {  	v13 =	vld.idx.msk [tilespmem:v13+s9+$0x0], $0xffff;
	v10 =	vor.u32 v15, v10;
	v15 =	vshll.u32 v11, $0x3;
	v11 =	vand.u32 $0x7F, v11  }
0x161: {  	v10 =	vor.u32 v5, v10;
	v15 =	vand.u32 $0xFFFFFC00, v15;
	v14 =	vadd.f32 v8, v14  }
0x162: {  	v16 =	vld.idx.msk [tilespmem:v16+s9+$0x0], $0xffff;
	v11 =	vor.u32 v15, v11  }
0x163: {  	v5 =	vor.u32 v5, v11;
	v11 =	vadd.f32 v12, v14  }
0x164: {  	v9 =	vld.idx.msk [tilespmem:v9+s9+$0x0], $0xffff  }
0x165: {  	v11 =	vadd.f32 v13, v11  }
0x166: {  	v10 =	vld.idx.msk [tilespmem:v10+s9+$0x0], $0xffff  }
0x167: {  	v11 =	vadd.f32 v16, v11  }
0x168: {  	v5 =	vld.idx.msk [tilespmem:v5+s9+$0x0], $0xffff  }
0x169: {  	v11 =	vadd.f32 v9, v11;
	_ =	sdelay $0x1  }
0x16a: {  	v11 =	vadd.f32 v10, v11;
	_ =	sdelay $0x1  }
0x16b: {  	v11 =	vadd.f32 v5, v11;
	_ =	sdelay $0x1  }
0x16c: {  	(xrf2) =	vadd.scan.msk.f32 $0xffff, v11;
	_ =	sdelay $0x9  }
0x16d: {  	v11, _, _ =	vpop (xrf2)  }
0x16e: {  	[tilespmem:s10+$0x30] =	vst v6;
	s30 =	sadd.s32 $0x400, s10;
	v6 =	vadd.f32 $1.000000010e-10, v11  }
0x16f: {  	[tilespmem:s30+$0xFFFFFFC0] =	vst v7  }
0x170: {  	[tilespmem:s30+$0xFFFFFFD0] =	vst v8;
	v6 =	vbroadcast v6, $0xF  }
0x171: {  	[tilespmem:s30+$0xFFFFFFE0] =	vst v12  }
0x172: {  	[tilespmem:s30+$0xFFFFFFF0] =	vst v13;
	(erf) = vrcp.f32 v6  }
0x173: {  	[tilespmem:s30+$0x0] =	vst v16  }
0x174: {  	[tilespmem:s30+$0x10] =	vst v9  }
0x175: {  	[tilespmem:s30+$0x20] =	vst v10  }
0x176: {  	[tilespmem:s30+$0x30] =	vst v5  }
0x177: {  	v8 =	vld [tilespmem:s8+$0x30]  }
0x178: {  	v10 =	vld [tilespmem:s8+$0xFFFFFFD0]  }
0x179: {  	v12 =	vld [tilespmem:s8+$0xFFFFFFE0]  }
0x17a: {  	v9 =	vld [tilespmem:s8+$0xFFFFFFF0]  }
0x17b: {  	v7 =	vld [tilespmem:s8+$0x0];
	v5 =	vpop (erf)  }
0x17c: {  	v6 =	vld [tilespmem:s8+$0x10];
	v13 =	vmul.f32 v8, v5  }
0x17d: {  	v8 =	vld [tilespmem:s8+$0x20];
	v11 =	vmul.f32 v10, v5  }
0x17e: {  	s20 =	simm.s32 $0x0;
	s22 =	sadd.s32 $0x400, s8;
	s10 =	smov.u32 s8;
	v10 =	vld [tilespmem:s8+$0xFFFFFFC0];
	v12 =	vmul.f32 v12, v5;
	[tilespmem:s8+$0x30] =	vst v13  }
.LBB2_20:
0x17f: {  	v13 =	vld [tilespmem:s22+$0x30];
	s20 =	sadd.s32 $0x8, s20;
	[tilespmem:s10+$0xFFFFFFD0] =	vst v11;
	v9 =	vmul.f32 v9, v5  }
0x180: {  	v11 =	vld [tilespmem:s22+$0xFFFFFFD0];
	p1 =	slt.u32 s20, $0x38;
	[tilespmem:s10+$0xFFFFFFE0] =	vst v12;
	v7 =	vmul.f32 v7, v5  }
0x181: {  	v12 =	vld [tilespmem:s22+$0xFFFFFFE0];
	[tilespmem:s10+$0xFFFFFFF0] =	vst v9;
	v6 =	vmul.f32 v6, v5  }
.Ltmp9:
0x182: {  	v9 =	vld [tilespmem:s22+$0xFFFFFFF0];
	[tilespmem:s10+$0x0] =	vst v7;
	v8 =	vmul.f32 v8, v5;
	(pc) =	sbr.rel @p1 .LBB2_20-.Ltmp9, $4  }
0x183: {  	v7 =	vld [tilespmem:s22+$0x0];
	v10 =	vmul.f32 v10, v5;
	[tilespmem:s10+$0x10] =	vst v6  }
0x184: {  	v6 =	vld [tilespmem:s22+$0x10];
	v13 =	vmul.f32 v13, v5;
	[tilespmem:s10+$0x20] =	vst v8  }
0x185: {  	v11 =	vmul.f32 v11, v5;
	v8 =	vld [tilespmem:s22+$0x20];
	[tilespmem:s10+$0xFFFFFFC0] =	vst v10;
	s10 =	smov.u32 s22  }
0x186: {  	s22 =	sadd.s32 $0x400, s22;
	v10 =	vld [tilespmem:s10+$0xFFFFFFC0];
	v12 =	vmul.f32 v12, v5;
	[tilespmem:s10+$0x30] =	vst v13  }
0x187: {  	[tilespmem:s10+$0xFFFFFFD0] =	vst v11;
	v9 =	vmul.f32 v9, v5;
	s19 =	sadd.s32 $0x1, s19  }
0x188: {  	[tilespmem:s10+$0xFFFFFFE0] =	vst v12;
	v7 =	vmul.f32 v7, v5;
	p1 =	sne.s32 s19, $0x8  }
.Ltmp10:
0x189: {  	[tilespmem:s10+$0xFFFFFFF0] =	vst v9;
	v6 =	vmul.f32 v6, v5;
	(pc) =	sbr.rel @p1 .LBB2_17-.Ltmp10, $4  }
0x18a: {  	[tilespmem:s10+$0x0] =	vst v7;
	v7 =	vmul.f32 v8, v5  }
0x18b: {  	v5 =	vmul.f32 v10, v5;
	[tilespmem:s10+$0x10] =	vst v6  }
0x18c: {  	[tilespmem:s10+$0x20] =	vst v7  }
0x18d: {  	s8 =	sadd.s32 $0x80, s8;
	[tilespmem:s10+$0xFFFFFFC0] =	vst v5  }
0x18e: {  	s7 =	sadd.s32 $0x1, s7  }
0x18f: {  	p1 =	sne.s32 s7, $0x8  }
.Ltmp11:
0x190: {  	_ = 	snop;
	(pc) =	sbr.rel @p1 .LBB2_6-.Ltmp11, $4  }
0x191: {  	s8 =	sadd.s32 s13, s28  }
0x192: {  	s8 =	sshll.u32 s8, $0x7  }
0x193: {  	s8 =	sadd.s32 s3, s8  }
0x194: {  	[hbm4b:s8+s5] =	stream.linear.scatter [tilespmem:s26], [sflag:$0x6], $0x2000, $0x38;
	[tilespmem:$0x11C00] =	vst v63  }
0x195: {  	s7 =	simm.s32 $0x5  }
0x196: {  	_ =	swait.ge [sflag:s7], $0x2000  }
0x197: {  	[sflag:s7] =	ssyncset.done $0x0  }
0x198: {  	[sflag:s7] =	ssyncadd.s32 $0xFFFFE000  }
0x199: {  	_ =	swait.ge [sflag:s2], $0x2000  }
0x19a: {  	[sflag:s2] =	ssyncset.done $0x0  }
0x19b: {  	s8 =	simm.s32 $0x2;
	[sflag:s2] =	ssyncadd.s32 $0xFFFFE000  }
0x19c: {  	_ =	swait.ge [sflag:s8], $0x4000  }
0x19d: {  	s10 =	rddreg [dreg:$0xe]  }
0x19e: {  	s30 =	rddreg [dreg:$0xd];
	s10 =	sadd.s32 $0x1, s10  }
0x19f: {  	p1 =	sne.s32 s10, s30  }
.Ltmp12:
0x1a0: {  	_ = 	snop;
	(pc) =	sbr.rel @p1 .LBB2_1-.Ltmp12, $3  }
0x1a1: {  	_ =	sdelay $0x1  }
0x1a2: {  	[sflag:s8] =	ssyncset.done $0x0  }
0x1a3: {  	s22 =	simm.s32 $0x1C00;
	[sflag:s8] =	ssyncadd.s32 $0xFFFFC000  }
0x1a4: {  	_ =	sfence.sel $0x180000  }
0x1a5: {  	[bflag:$0x0] =	sbarrier.arrive $0xFFFF  }
0x1a6: {  	_ =	strace $0x90000047  }
0x1a7: {  	s0 =	stileid.u32;
	[bflag:$0x2] =	sbarrier.arrive $0xFFFF  }
0x1a8: {  	p0 =	sne.s32 s0, $0x0;
	s0 =	rddreg [dreg:$0x7]  }
0x1a9: {  	s0 =	sadd.s32 @!p0 $0x100000, s0  }
0x1aa: {  	[sflag:s0] =	ssyncadd.tile.s32 @!p0 $0x1;
	_ =	shalt  }
.Lfunc_end2:
_tile_overlayer_lowered:
.L_overlay_start_2:
0x1ab: {  	(tag) =	ssettag $0x2  }
0x1ac: {  	s0 =	rddreg [dreg:$0x0];
	s2 =	stileid.u32  }
0x1ad: {  	s1 =	rddreg [dreg:$0x1];
	p0 =	sne.s32 s2, $0x0  }
0x1ae: {  	s3 =	rddreg [dreg:$0x2];
	[bflag:$0x3] =	sbarrier.arrive $0xFFFF;
	s2 =	simm.s32 @!p0 $0x1C07  }
0x1af: {  	[timem:s3], [sflag:s2] =	dma.local @!p0 [hbm:s0], s1  }
0x1b0: {  	s0 =	simm.s32 @!p0 $0x7  }
0x1b1: {  	_ =	swait.ge @!p0 [sflag:s0], s1  }
0x1b2: {  	s1 =	ssub.s32 @!p0 $0x0, s1;
	[sflag:s0] =	ssyncset.done @!p0 $0x0  }
0x1b3: {  	[sflag:s0] =	ssyncadd.s32 @!p0 s1  }
0x1b4: {  	[bflag:$0x3] =	sbarrier.arrive $0xFFFF  }
0x1b5: {  	_ =	shalt  }

</sc_bundles>
